<compile_context>
chip_gen: v7x
topology: tpu7x:2x2x1
jax: 0.10.2.dev20260603
libtpu: 0.0.44.dev20260713+nightly
codegen_flags: <defaults>
</compile_context>

<pallas_src>
import functools

import jax
import jax.numpy as jnp
from jax import lax
from jax.experimental import pallas as pl
from jax.experimental.pallas import tpu as pltpu
from jax.experimental.pallas import tpu_sc as plsc

_DIM = 64
_N_TOK = 16384
_N_SAMPLES = 8192
_NW = 32
_IDS = _N_TOK + _N_SAMPLES
_VOCAB = 1000000
_SLAB = 1024
_NSLAB = 32
_NSLAB_G = _NW * _NSLAB
_RANGE = _NSLAB * _SLAB
_SHORT_LO = (_VOCAB // _SLAB) * _SLAB
_TAILW = _VOCAB - _SHORT_LO
_SEG = 1040
_STAGE = 96
_DUMP = _IDS
_OUT_ROWS = _IDS + 8


@functools.partial(
    pl.kernel,
    out_type=jax.ShapeDtypeStruct((_OUT_ROWS, 128), jnp.float32),
    mesh=plsc.VectorSubcoreMesh(core_axis_name="c", subcore_axis_name="s"),
    compiler_params=pltpu.CompilerParams(needs_layout_passes=False),
    scratch_types=[
        pltpu.VMEM((_SEG + 16,), jnp.int32),
        pltpu.VMEM((_SEG + 16,), jnp.int32),
        pltpu.VMEM((64,), jnp.int32),
        pltpu.VMEM((_DIM, _SLAB), jnp.float32),
        pltpu.VMEM((_STAGE, 128), jnp.float32),
        pltpu.VMEM((_STAGE,), jnp.int32),
        pltpu.SemaphoreType.DMA,
        pltpu.SemaphoreType.DMA,
    ],
)
def _sc_scan_gather(sids_hbm, sord_hbm, starts_hbm, tab_t_hbm, tail_hbm,
                    out_hbm, wlid_v, wlord_v, starts_v, slab_v, stage_v,
                    sord_v, sem, sem2):
    wid = lax.axis_index("s") * 2 + lax.axis_index("c")
    lo_w = wid * _RANGE
    iota = lax.iota(jnp.int32, 16)
    dump16 = jnp.full((16,), _DUMP, jnp.int32)

    pltpu.sync_copy(starts_hbm.at[pl.ds(wid * _NSLAB, 48)],
                    starts_v.at[pl.ds(0, 48)])
    seg_lo = starts_v[pl.ds(0, 16)][0]
    seg_base = pl.multiple_of((seg_lo // 8) * 8, 8)
    pltpu.sync_copy(sids_hbm.at[pl.ds(seg_base, _SEG)],
                    wlid_v.at[pl.ds(0, _SEG)])
    pltpu.sync_copy(sord_hbm.at[pl.ds(seg_base, _SEG)],
                    wlord_v.at[pl.ds(0, _SEG)])

    def slab_loop(s, _):
        slab_lo = pl.multiple_of(lo_w + s * _SLAB, _SLAB)

        @pl.when(slab_lo + _SLAB <= _VOCAB)
        def _full():
            cps = [
                pltpu.async_copy(
                    tab_t_hbm.at[pl.ds(8 * r, 8), pl.ds(slab_lo, _SLAB)],
                    slab_v.at[pl.ds(8 * r, 8), pl.ds(0, _SLAB)],
                    sem,
                )
                for r in range(_DIM // 8)
            ]
            for cp_ in cps:
                cp_.wait()

        @pl.when(slab_lo == _SHORT_LO)
        def _short():
            cps = [
                pltpu.async_copy(
                    tail_hbm.at[pl.ds(8 * r, 8), pl.ds(0, 640)],
                    slab_v.at[pl.ds(8 * r, 8), pl.ds(0, 640)],
                    sem,
                )
                for r in range(_DIM // 8)
            ]
            for cp_ in cps:
                cp_.wait()

        sv = starts_v[pl.ds(s, 16)]
        st = sv[0] - seg_base
        n_s = sv[1] - sv[0]
        gtr = (n_s + 15) // 16

        for r in range(_STAGE // 16):
            sord_v[pl.ds(r * 16, 16)] = dump16

        def cp(g2, c):
            sord_v[pl.ds(g2 * 16, 16)] = wlord_v[pl.ds(st + g2 * 16, 16)]
            return c

        lax.fori_loop(0, gtr, cp, 0)
        sord_v[pl.ds(jnp.minimum(n_s, _STAGE - 16), 16)] = dump16

        def ext(g2, c):
            base = g2 * 16
            vcol = (wlid_v[pl.ds(st + base, 16)] - slab_lo) & (_SLAB - 1)
            rowv = base + iota
            for d in range(_DIM):
                dsplat = jnp.full((16,), d, jnp.int32)
                w = plsc.load_gather(slab_v, [dsplat, vcol])
                plsc.store_scatter(stage_v, [rowv, dsplat], w)
            return c

        lax.fori_loop(0, gtr, ext, 0)

        @pl.when(n_s > 0)
        def _flush():
            pltpu.async_copy(stage_v, out_hbm.at[sord_v], sem2).wait()

        return 0

    lax.fori_loop(0, _NSLAB, slab_loop, 0)


_TILE_N = 256
_GRID = _N_TOK // _TILE_N


def _tc_loss_body(x_ref, pe_ref, t_ref, nid_ref, ne_ref, acc_ref):
    i = pl.program_id(0)
    x = x_ref[...]
    z = lax.dot_general(
        x, ne_ref[...], (((1,), (1,)), ((), ())),
        preferred_element_type=jnp.float32,
    )
    t = t_ref[...]
    hits = nid_ref[0] == t
    z = jnp.where(hits, jnp.float32(-1e9), z)
    pos = jnp.sum(x * pe_ref[...], axis=1, keepdims=True)
    s = jnp.sum(jnp.exp(z), axis=1, keepdims=True) + jnp.exp(pos)
    loss = jnp.log(s) - pos
    mask = t != -100
    loss = jnp.where(mask, loss, jnp.float32(0.0))
    part = jnp.sum(loss, axis=(0, 1), keepdims=True)
    cnt = jnp.sum(mask.astype(jnp.float32), axis=(0, 1), keepdims=True)
    vec = jnp.concatenate([part, cnt], axis=1)

    @pl.when(i == 0)
    def _init():
        acc_ref[...] = jnp.zeros_like(acc_ref)

    acc_ref[...] += vec


_tc_loss = pl.pallas_call(
    _tc_loss_body,
    grid=(_GRID,),
    in_specs=[
        pl.BlockSpec((_TILE_N, _DIM), lambda i: (i, 0)),
        pl.BlockSpec((_TILE_N, _DIM), lambda i: (i, 0)),
        pl.BlockSpec((_TILE_N, 1), lambda i: (i, 0)),
        pl.BlockSpec((1, 1, _N_SAMPLES), lambda i: (0, 0, 0)),
        pl.BlockSpec((_N_SAMPLES, _DIM), lambda i: (0, 0)),
    ],
    out_specs=pl.BlockSpec((1, 2), lambda i: (0, 0)),
    out_shape=jax.ShapeDtypeStruct((1, 2), jnp.float32),
)


def kernel(inputs, target_ids, table, neg_ids):
    t = target_ids[:, 0]
    ids = jnp.concatenate([t, neg_ids])
    order = jnp.argsort(ids).astype(jnp.int32)
    sids = ids[order]
    edges = jnp.arange(_NSLAB_G + 1, dtype=jnp.int32) * _SLAB
    starts = jnp.searchsorted(sids, edges).astype(jnp.int32)
    starts_p = jnp.pad(starts, (0, (_NW - 1) * _NSLAB + 48 - _NSLAB_G - 1 + 8),
                       constant_values=_IDS)
    sids_p = jnp.pad(sids, (0, _SEG))
    sord_p = jnp.pad(order, (0, _SEG))

    table_t = table.T
    tail = jnp.pad(table_t[:, _SHORT_LO:], ((0, 0), (0, 640 - _TAILW)))
    rows = _sc_scan_gather(sids_p, sord_p, starts_p, table_t, tail)
    pos_emb = rows[:_N_TOK, :_DIM]
    neg_emb = rows[_N_TOK:_IDS, :_DIM]
    acc = _tc_loss(
        inputs, pos_emb, target_ids,
        neg_ids.reshape(1, 1, _N_SAMPLES), neg_emb,
    )
    loss = acc[0, 0] / acc[0, 1]
    return (jnp.asarray(0), loss)

# --- scband reference (transcript-rebuilt; emitter-appended) ---
"""Pipeline reference for scband-sampled-arhead-51616916963558 (READ-ONLY COPY).

The authoritative reference and input builder live on the scoring server;
editing this copy changes nothing except your own understanding.
"""

import jax, jax.numpy as jnp
import numpy as np

VOCAB = 1000000
DIM = 64
N_TOK = 16384
N_SAMPLES = 8192
TEMPERATURE = 1.0


def setup_inputs(seed: int = 0) -> dict:
    key = jax.random.key(seed)
    k1, k2, k3, k4 = jax.random.split(key, 4)
    inputs = jax.random.normal(k1, (N_TOK, DIM), dtype=jnp.float32)
    target_ids = jax.random.randint(k2, (N_TOK, 1), 0, VOCAB, dtype=jnp.int32)
    # learned projection = tied embedding table
    table = jax.random.normal(k3, (VOCAB, DIM), dtype=jnp.float32) * 0.02
    # uniformly sampled negative class ids (shared across the batch, as in sampled softmax)
    neg_ids = jax.random.randint(k4, (N_SAMPLES,), 0, VOCAB, dtype=jnp.int32)
    return {"inputs": inputs, "target_ids": target_ids, "table": table, "neg_ids": neg_ids}


def reference(inputs, target_ids, table, neg_ids):
    # SampledARHead.forward: mask out rows whose targets are all ignore_index (-100)
    mask = (target_ids != -100).sum(axis=-1).astype(bool)
    x = inputs                            # [N, d]
    t = target_ids[:, 0]                  # [N]
    # SampledSoftmaxLoss (l2_norm=False):
    # positive logit = <x, e_t>; negative logits = x @ E[neg_ids]^T
    pos_emb = table[t]                    # gather [N, d]
    pos_logit = jnp.sum(x * pos_emb, axis=-1, keepdims=True)  # [N, 1]
    neg_emb = table[neg_ids]              # gather [S, d]
    neg_logits = x @ neg_emb.T            # [N, S]
    # mask accidental hits (sampled negative equals the true class)
    hits = neg_ids[None, :] == t[:, None]
    neg_logits = jnp.where(hits, jnp.float32(-1e9), neg_logits)
    logits = jnp.concatenate([pos_logit, neg_logits], axis=-1) / TEMPERATURE
    loss = -jax.nn.log_softmax(logits, axis=-1)[:, 0]
    loss = jnp.where(mask, loss, jnp.float32(0.0))
    loss = loss.sum() / mask.sum()
    return (jnp.asarray(0), loss)

if __name__ == "__main__":
    import jax
    _d = setup_inputs()
    print(jax.jit(kernel)(*tuple(_d.values())))

</pallas_src>

<mosaic_0001>
#map = affine_map<(d0, d1) -> (0)>
#map1 = affine_map<(d0, d1) -> (0, 0)>
module attributes {stable_mosaic.version = 14 : i64} {
  func.func @_sc_scan_gather(%arg0: i32, %arg1: i32, %arg2: memref<25616xi32, #tpu.memory_space<hbm>>, %arg3: memref<25616xi32, #tpu.memory_space<hbm>>, %arg4: memref<1048xi32, #tpu.memory_space<hbm>>, %arg5: memref<64x1000000xf32, #tpu.memory_space<hbm>>, %arg6: memref<64x640xf32, #tpu.memory_space<hbm>>, %arg7: memref<24584x128xf32, #tpu.memory_space<hbm>>, %arg8: memref<1056xi32, #tpu.memory_space<vmem>>, %arg9: memref<1056xi32, #tpu.memory_space<vmem>>, %arg10: memref<64xi32, #tpu.memory_space<vmem>>, %arg11: memref<64x1024xf32, #tpu.memory_space<vmem>>, %arg12: memref<96x128xf32, #tpu.memory_space<vmem>>, %arg13: memref<96xi32, #tpu.memory_space<vmem>>, %arg14: memref<!tpu.dma_semaphore, #tpu.memory_space<semaphore_mem>>, %arg15: memref<!tpu.dma_semaphore, #tpu.memory_space<semaphore_mem>>) attributes {dimension_semantics = [#tpu.dimension_semantics<core_parallel>, #tpu.dimension_semantics<subcore_parallel>], iteration_bounds = array<i64: 2, 16>, scalar_prefetch = 0 : i64, scratch_operands = 8 : i64, tpu.core_type = #tpu.core_type<sc_vector_subcore>, window_params = [{transform_indices = #map}, {transform_indices = #map}, {transform_indices = #map}, {transform_indices = #map1}, {transform_indices = #map1}, {transform_indices = #map1}]} {
    %mul3A = arith.constant 2 : i32
    %mul3A_0 = arith.muli %arg1, %mul3A : i32
    %add3A = arith.addi %mul3A_0, %arg0 : i32
    %mul3A_1 = arith.constant 32768 : i32
    %mul3A_2 = arith.muli %add3A, %mul3A_1 : i32
    %iota3A = tpu.iota {dimensions = array<i32: 0>} : vector<16xi32>
    %broadcast_in_dim3A = arith.constant 24576 : i32
    %broadcast_in_dim3A_3 = vector.broadcast %broadcast_in_dim3A : i32 to vector<16xi32>
    %mul3A_4 = arith.constant 32 : i32
    %mul3A_5 = arith.muli %add3A, %mul3A_4 : i32
    "tpu.region"() ({
      %run_scoped3A = tpu.sem_alloc : memref<!tpu.dma_semaphore, #tpu.memory_space<semaphore_mem>>
      %dma_start3A = arith.constant 0 : i32
      %dma_start3A_31 = tpu.memref_slice %arg10[%dma_start3A] : memref<64xi32, #tpu.memory_space<vmem>> -> memref<48xi32, #tpu.memory_space<vmem>>
      %dma_start3A_32 = tpu.memref_slice %arg4[%mul3A_5] : memref<1048xi32, #tpu.memory_space<hbm>> -> memref<48xi32, #tpu.memory_space<hbm>>
      %dma_start3A_33 = arith.constant 0 : i32
      %dma_start3A_34 = tpu.memref_slice %arg10[%dma_start3A_33] : memref<64xi32, #tpu.memory_space<vmem>> -> memref<48xi32, #tpu.memory_space<vmem>>
      %dma_start3A_35 = tpu.memref_slice %arg4[%mul3A_5] : memref<1048xi32, #tpu.memory_space<hbm>> -> memref<48xi32, #tpu.memory_space<hbm>>
      tpu.enqueue_dma source(%dma_start3A_35 : memref<48xi32, #tpu.memory_space<hbm>>) target(%dma_start3A_34 : memref<48xi32, #tpu.memory_space<vmem>>) target_semaphore(%run_scoped3A : memref<!tpu.dma_semaphore, #tpu.memory_space<semaphore_mem>>)
      %dma_wait3A = arith.constant 0 : i32
      %dma_wait3A_36 = tpu.memref_slice %arg10[%dma_wait3A] : memref<64xi32, #tpu.memory_space<vmem>> -> memref<48xi32, #tpu.memory_space<vmem>>
      %dma_wait3A_37 = tpu.memref_slice %arg4[%mul3A_5] : memref<1048xi32, #tpu.memory_space<hbm>> -> memref<48xi32, #tpu.memory_space<hbm>>
      %dma_wait3A_38 = arith.constant 0 : i32
      %dma_wait3A_39 = tpu.memref_slice %arg10[%dma_wait3A_38] : memref<64xi32, #tpu.memory_space<vmem>> -> memref<48xi32, #tpu.memory_space<vmem>>
      %dma_wait3A_40 = tpu.memref_slice %arg4[%mul3A_5] : memref<1048xi32, #tpu.memory_space<hbm>> -> memref<48xi32, #tpu.memory_space<hbm>>
      tpu.wait_dma2 semaphore(%run_scoped3A : memref<!tpu.dma_semaphore, #tpu.memory_space<semaphore_mem>>) src(%dma_wait3A_40 : memref<48xi32, #tpu.memory_space<hbm>>) dst(%dma_wait3A_39 : memref<48xi32, #tpu.memory_space<vmem>>)
      tpu.yield
    }) : () -> ()
    %get3A = arith.constant 0 : index
    %get3A_6 = tpu.vector_load %arg10[%get3A] {strides = array<i32>} : memref<64xi32, #tpu.memory_space<vmem>>, vector<16xi32>,
    %slice3A = vector.extract_strided_slice %get3A_6 {offsets = [0], sizes = [1], strides = [1]} : vector<16xi32> to vector<1xi32>
    %squeeze3A = vector.extract %slice3A[0] : i32 from vector<1xi32>
    %jit3A = arith.constant 8 : i32
    %div3A = arith.divsi %squeeze3A, %jit3A : i32
    %sign3A = arith.constant 0 : i32
    %sign3A_7 = arith.cmpi sgt, %squeeze3A, %sign3A : i32
    %sign3A_8 = arith.extui %sign3A_7 : i1 to i32
    %sign3A_9 = arith.constant 0 : i32
    %sign3A_10 = arith.cmpi slt, %squeeze3A, %sign3A_9 : i32
    %sign3A_11 = arith.extui %sign3A_10 : i1 to i32
    %sign3A_12 = arith.subi %sign3A_8, %sign3A_11 : i32
    %sign3A_13 = arith.constant 0 : i32
    %sign3A_14 = arith.cmpi sgt, %jit3A, %sign3A_13 : i32
    %sign3A_15 = arith.extui %sign3A_14 : i1 to i32
    %sign3A_16 = arith.constant 0 : i32
    %sign3A_17 = arith.cmpi slt, %jit3A, %sign3A_16 : i32
    %sign3A_18 = arith.extui %sign3A_17 : i1 to i32
    %sign3A_19 = arith.subi %sign3A_15, %sign3A_18 : i32
    %ne3A = arith.cmpi ne, %sign3A_12, %sign3A_19 : i32
    %rem3A = arith.remsi %squeeze3A, %jit3A : i32
    %ne3A_20 = arith.constant 0 : i32
    %ne3A_21 = arith.cmpi ne, %rem3A, %ne3A_20 : i32
    %and3A = arith.andi %ne3A, %ne3A_21 : i1
    %sub3A = arith.constant 1 : i32
    %sub3A_22 = arith.subi %div3A, %sub3A : i32
    %select_n3A = arith.select %and3A, %sub3A_22, %div3A : i32
    %mul3A_23 = arith.constant 8 : i32
    %mul3A_24 = arith.muli %select_n3A, %mul3A_23 : i32
    %multiple_of3A = tpu.assume_multiple %mul3A_24, 8 : i32
    "tpu.region"() ({
      %run_scoped3A = tpu.sem_alloc : memref<!tpu.dma_semaphore, #tpu.memory_space<semaphore_mem>>
      %dma_start3A = arith.constant 0 : i32
      %dma_start3A_31 = tpu.memref_slice %arg8[%dma_start3A] : memref<1056xi32, #tpu.memory_space<vmem>> -> memref<1040xi32, #tpu.memory_space<vmem>>
      %dma_start3A_32 = tpu.memref_slice %arg2[%multiple_of3A] : memref<25616xi32, #tpu.memory_space<hbm>> -> memref<1040xi32, #tpu.memory_space<hbm>>
      %dma_start3A_33 = arith.constant 0 : i32
      %dma_start3A_34 = tpu.memref_slice %arg8[%dma_start3A_33] : memref<1056xi32, #tpu.memory_space<vmem>> -> memref<1040xi32, #tpu.memory_space<vmem>>
      %dma_start3A_35 = tpu.memref_slice %arg2[%multiple_of3A] : memref<25616xi32, #tpu.memory_space<hbm>> -> memref<1040xi32, #tpu.memory_space<hbm>>
      tpu.enqueue_dma source(%dma_start3A_35 : memref<1040xi32, #tpu.memory_space<hbm>>) target(%dma_start3A_34 : memref<1040xi32, #tpu.memory_space<vmem>>) target_semaphore(%run_scoped3A : memref<!tpu.dma_semaphore, #tpu.memory_space<semaphore_mem>>)
      %dma_wait3A = arith.constant 0 : i32
      %dma_wait3A_36 = tpu.memref_slice %arg8[%dma_wait3A] : memref<1056xi32, #tpu.memory_space<vmem>> -> memref<1040xi32, #tpu.memory_space<vmem>>
      %dma_wait3A_37 = tpu.memref_slice %arg2[%multiple_of3A] : memref<25616xi32, #tpu.memory_space<hbm>> -> memref<1040xi32, #tpu.memory_space<hbm>>
      %dma_wait3A_38 = arith.constant 0 : i32
      %dma_wait3A_39 = tpu.memref_slice %arg8[%dma_wait3A_38] : memref<1056xi32, #tpu.memory_space<vmem>> -> memref<1040xi32, #tpu.memory_space<vmem>>
      %dma_wait3A_40 = tpu.memref_slice %arg2[%multiple_of3A] : memref<25616xi32, #tpu.memory_space<hbm>> -> memref<1040xi32, #tpu.memory_space<hbm>>
      tpu.wait_dma2 semaphore(%run_scoped3A : memref<!tpu.dma_semaphore, #tpu.memory_space<semaphore_mem>>) src(%dma_wait3A_40 : memref<1040xi32, #tpu.memory_space<hbm>>) dst(%dma_wait3A_39 : memref<1040xi32, #tpu.memory_space<vmem>>)
      tpu.yield
    }) : () -> ()
    "tpu.region"() ({
      %run_scoped3A = tpu.sem_alloc : memref<!tpu.dma_semaphore, #tpu.memory_space<semaphore_mem>>
      %dma_start3A = arith.constant 0 : i32
      %dma_start3A_31 = tpu.memref_slice %arg9[%dma_start3A] : memref<1056xi32, #tpu.memory_space<vmem>> -> memref<1040xi32, #tpu.memory_space<vmem>>
      %dma_start3A_32 = tpu.memref_slice %arg3[%multiple_of3A] : memref<25616xi32, #tpu.memory_space<hbm>> -> memref<1040xi32, #tpu.memory_space<hbm>>
      %dma_start3A_33 = arith.constant 0 : i32
      %dma_start3A_34 = tpu.memref_slice %arg9[%dma_start3A_33] : memref<1056xi32, #tpu.memory_space<vmem>> -> memref<1040xi32, #tpu.memory_space<vmem>>
      %dma_start3A_35 = tpu.memref_slice %arg3[%multiple_of3A] : memref<25616xi32, #tpu.memory_space<hbm>> -> memref<1040xi32, #tpu.memory_space<hbm>>
      tpu.enqueue_dma source(%dma_start3A_35 : memref<1040xi32, #tpu.memory_space<hbm>>) target(%dma_start3A_34 : memref<1040xi32, #tpu.memory_space<vmem>>) target_semaphore(%run_scoped3A : memref<!tpu.dma_semaphore, #tpu.memory_space<semaphore_mem>>)
      %dma_wait3A = arith.constant 0 : i32
      %dma_wait3A_36 = tpu.memref_slice %arg9[%dma_wait3A] : memref<1056xi32, #tpu.memory_space<vmem>> -> memref<1040xi32, #tpu.memory_space<vmem>>
      %dma_wait3A_37 = tpu.memref_slice %arg3[%multiple_of3A] : memref<25616xi32, #tpu.memory_space<hbm>> -> memref<1040xi32, #tpu.memory_space<hbm>>
      %dma_wait3A_38 = arith.constant 0 : i32
      %dma_wait3A_39 = tpu.memref_slice %arg9[%dma_wait3A_38] : memref<1056xi32, #tpu.memory_space<vmem>> -> memref<1040xi32, #tpu.memory_space<vmem>>
      %dma_wait3A_40 = tpu.memref_slice %arg3[%multiple_of3A] : memref<25616xi32, #tpu.memory_space<hbm>> -> memref<1040xi32, #tpu.memory_space<hbm>>
      tpu.wait_dma2 semaphore(%run_scoped3A : memref<!tpu.dma_semaphore, #tpu.memory_space<semaphore_mem>>) src(%dma_wait3A_40 : memref<1040xi32, #tpu.memory_space<hbm>>) dst(%dma_wait3A_39 : memref<1040xi32, #tpu.memory_space<vmem>>)
      tpu.yield
    }) : () -> ()
    %scan3A = arith.constant 0 : i32
    %scan3A_25 = arith.constant 0 : i32
    %scan3A_26 = arith.constant 32 : i32
    %scan3A_27 = arith.addi %scan3A_25, %scan3A_26 : i32
    %scan3A_28 = arith.constant 1 : i32
    %scan3A_29 = scf.for %scan3A_31 = %scan3A_25 to %scan3A_27 step %scan3A_28 iter_args(%scan3A_32 = %scan3A) -> (i32)  : i32 {
      %mul3A_33 = arith.constant 1024 : i32
      %mul3A_34 = arith.muli %scan3A_31, %mul3A_33 : i32
      %add3A_35 = arith.addi %mul3A_2, %mul3A_34 : i32
      %multiple_of3A_36 = tpu.assume_multiple %add3A_35, 1024 : i32
      %add3A_37 = arith.constant 1024 : i32
      %add3A_38 = arith.addi %multiple_of3A_36, %add3A_37 : i32
      %le3A = arith.constant 1000000 : i32
      %le3A_39 = arith.cmpi sle, %add3A_38, %le3A : i32
      %convert_element_type3A = arith.extui %le3A_39 : i1 to i32
      %cond3A = arith.constant 0 : i32
      %cond3A_40 = arith.cmpi ne, %convert_element_type3A, %cond3A : i32
      scf.if %cond3A_40 {
        %dma_start3A = arith.constant 0 : i32
        %dma_start3A_119 = arith.constant 0 : i32
        %dma_start3A_120 = tpu.memref_slice %arg11[%dma_start3A, %dma_start3A_119] : memref<64x1024xf32, #tpu.memory_space<vmem>> -> memref<8x1024xf32, #tpu.memory_space<vmem>>
        %dma_start3A_121 = arith.constant 0 : i32
        %dma_start3A_122 = tpu.memref_slice %arg5[%dma_start3A_121, %multiple_of3A_36] : memref<64x1000000xf32, #tpu.memory_space<hbm>> -> memref<8x1024xf32, #tpu.memory_space<hbm>>
        %dma_start3A_123 = arith.constant 0 : i32
        %dma_start3A_124 = arith.constant 0 : i32
        %dma_start3A_125 = tpu.memref_slice %arg11[%dma_start3A_123, %dma_start3A_124] : memref<64x1024xf32, #tpu.memory_space<vmem>> -> memref<8x1024xf32, #tpu.memory_space<vmem>>
        %dma_start3A_126 = arith.constant 0 : i32
        %dma_start3A_127 = tpu.memref_slice %arg5[%dma_start3A_126, %multiple_of3A_36] : memref<64x1000000xf32, #tpu.memory_space<hbm>> -> memref<8x1024xf32, #tpu.memory_space<hbm>>
        tpu.enqueue_dma source(%dma_start3A_127 : memref<8x1024xf32, #tpu.memory_space<hbm>>) target(%dma_start3A_125 : memref<8x1024xf32, #tpu.memory_space<vmem>>) target_semaphore(%arg14 : memref<!tpu.dma_semaphore, #tpu.memory_space<semaphore_mem>>)
        %dma_start3A_128 = arith.constant 8 : i32
        %dma_start3A_129 = arith.constant 0 : i32
        %dma_start3A_130 = tpu.memref_slice %arg11[%dma_start3A_128, %dma_start3A_129] : memref<64x1024xf32, #tpu.memory_space<vmem>> -> memref<8x1024xf32, #tpu.memory_space<vmem>>
        %dma_start3A_131 = arith.constant 8 : i32
        %dma_start3A_132 = tpu.memref_slice %arg5[%dma_start3A_131, %multiple_of3A_36] : memref<64x1000000xf32, #tpu.memory_space<hbm>> -> memref<8x1024xf32, #tpu.memory_space<hbm>>
        %dma_start3A_133 = arith.constant 8 : i32
        %dma_start3A_134 = arith.constant 0 : i32
        %dma_start3A_135 = tpu.memref_slice %arg11[%dma_start3A_133, %dma_start3A_134] : memref<64x1024xf32, #tpu.memory_space<vmem>> -> memref<8x1024xf32, #tpu.memory_space<vmem>>
        %dma_start3A_136 = arith.constant 8 : i32
        %dma_start3A_137 = tpu.memref_slice %arg5[%dma_start3A_136, %multiple_of3A_36] : memref<64x1000000xf32, #tpu.memory_space<hbm>> -> memref<8x1024xf32, #tpu.memory_space<hbm>>
        tpu.enqueue_dma source(%dma_start3A_137 : memref<8x1024xf32, #tpu.memory_space<hbm>>) target(%dma_start3A_135 : memref<8x1024xf32, #tpu.memory_space<vmem>>) target_semaphore(%arg14 : memref<!tpu.dma_semaphore, #tpu.memory_space<semaphore_mem>>)
        %dma_start3A_138 = arith.constant 16 : i32
        %dma_start3A_139 = arith.constant 0 : i32
        %dma_start3A_140 = tpu.memref_slice %arg11[%dma_start3A_138, %dma_start3A_139] : memref<64x1024xf32, #tpu.memory_space<vmem>> -> memref<8x1024xf32, #tpu.memory_space<vmem>>
        %dma_start3A_141 = arith.constant 16 : i32
        %dma_start3A_142 = tpu.memref_slice %arg5[%dma_start3A_141, %multiple_of3A_36] : memref<64x1000000xf32, #tpu.memory_space<hbm>> -> memref<8x1024xf32, #tpu.memory_space<hbm>>
        %dma_start3A_143 = arith.constant 16 : i32
        %dma_start3A_144 = arith.constant 0 : i32
        %dma_start3A_145 = tpu.memref_slice %arg11[%dma_start3A_143, %dma_start3A_144] : memref<64x1024xf32, #tpu.memory_space<vmem>> -> memref<8x1024xf32, #tpu.memory_space<vmem>>
        %dma_start3A_146 = arith.constant 16 : i32
        %dma_start3A_147 = tpu.memref_slice %arg5[%dma_start3A_146, %multiple_of3A_36] : memref<64x1000000xf32, #tpu.memory_space<hbm>> -> memref<8x1024xf32, #tpu.memory_space<hbm>>
        tpu.enqueue_dma source(%dma_start3A_147 : memref<8x1024xf32, #tpu.memory_space<hbm>>) target(%dma_start3A_145 : memref<8x1024xf32, #tpu.memory_space<vmem>>) target_semaphore(%arg14 : memref<!tpu.dma_semaphore, #tpu.memory_space<semaphore_mem>>)
        %dma_start3A_148 = arith.constant 24 : i32
        %dma_start3A_149 = arith.constant 0 : i32
        %dma_start3A_150 = tpu.memref_slice %arg11[%dma_start3A_148, %dma_start3A_149] : memref<64x1024xf32, #tpu.memory_space<vmem>> -> memref<8x1024xf32, #tpu.memory_space<vmem>>
        %dma_start3A_151 = arith.constant 24 : i32
        %dma_start3A_152 = tpu.memref_slice %arg5[%dma_start3A_151, %multiple_of3A_36] : memref<64x1000000xf32, #tpu.memory_space<hbm>> -> memref<8x1024xf32, #tpu.memory_space<hbm>>
        %dma_start3A_153 = arith.constant 24 : i32
        %dma_start3A_154 = arith.constant 0 : i32
        %dma_start3A_155 = tpu.memref_slice %arg11[%dma_start3A_153, %dma_start3A_154] : memref<64x1024xf32, #tpu.memory_space<vmem>> -> memref<8x1024xf32, #tpu.memory_space<vmem>>
        %dma_start3A_156 = arith.constant 24 : i32
        %dma_start3A_157 = tpu.memref_slice %arg5[%dma_start3A_156, %multiple_of3A_36] : memref<64x1000000xf32, #tpu.memory_space<hbm>> -> memref<8x1024xf32, #tpu.memory_space<hbm>>
        tpu.enqueue_dma source(%dma_start3A_157 : memref<8x1024xf32, #tpu.memory_space<hbm>>) target(%dma_start3A_155 : memref<8x1024xf32, #tpu.memory_space<vmem>>) target_semaphore(%arg14 : memref<!tpu.dma_semaphore, #tpu.memory_space<semaphore_mem>>)
        %dma_start3A_158 = arith.constant 32 : i32
        %dma_start3A_159 = arith.constant 0 : i32
        %dma_start3A_160 = tpu.memref_slice %arg11[%dma_start3A_158, %dma_start3A_159] : memref<64x1024xf32, #tpu.memory_space<vmem>> -> memref<8x1024xf32, #tpu.memory_space<vmem>>
        %dma_start3A_161 = arith.constant 32 : i32
        %dma_start3A_162 = tpu.memref_slice %arg5[%dma_start3A_161, %multiple_of3A_36] : memref<64x1000000xf32, #tpu.memory_space<hbm>> -> memref<8x1024xf32, #tpu.memory_space<hbm>>
        %dma_start3A_163 = arith.constant 32 : i32
        %dma_start3A_164 = arith.constant 0 : i32
        %dma_start3A_165 = tpu.memref_slice %arg11[%dma_start3A_163, %dma_start3A_164] : memref<64x1024xf32, #tpu.memory_space<vmem>> -> memref<8x1024xf32, #tpu.memory_space<vmem>>
        %dma_start3A_166 = arith.constant 32 : i32
        %dma_start3A_167 = tpu.memref_slice %arg5[%dma_start3A_166, %multiple_of3A_36] : memref<64x1000000xf32, #tpu.memory_space<hbm>> -> memref<8x1024xf32, #tpu.memory_space<hbm>>
        tpu.enqueue_dma source(%dma_start3A_167 : memref<8x1024xf32, #tpu.memory_space<hbm>>) target(%dma_start3A_165 : memref<8x1024xf32, #tpu.memory_space<vmem>>) target_semaphore(%arg14 : memref<!tpu.dma_semaphore, #tpu.memory_space<semaphore_mem>>)
        %dma_start3A_168 = arith.constant 40 : i32
        %dma_start3A_169 = arith.constant 0 : i32
        %dma_start3A_170 = tpu.memref_slice %arg11[%dma_start3A_168, %dma_start3A_169] : memref<64x1024xf32, #tpu.memory_space<vmem>> -> memref<8x1024xf32, #tpu.memory_space<vmem>>
        %dma_start3A_171 = arith.constant 40 : i32
        %dma_start3A_172 = tpu.memref_slice %arg5[%dma_start3A_171, %multiple_of3A_36] : memref<64x1000000xf32, #tpu.memory_space<hbm>> -> memref<8x1024xf32, #tpu.memory_space<hbm>>
        %dma_start3A_173 = arith.constant 40 : i32
        %dma_start3A_174 = arith.constant 0 : i32
        %dma_start3A_175 = tpu.memref_slice %arg11[%dma_start3A_173, %dma_start3A_174] : memref<64x1024xf32, #tpu.memory_space<vmem>> -> memref<8x1024xf32, #tpu.memory_space<vmem>>
        %dma_start3A_176 = arith.constant 40 : i32
        %dma_start3A_177 = tpu.memref_slice %arg5[%dma_start3A_176, %multiple_of3A_36] : memref<64x1000000xf32, #tpu.memory_space<hbm>> -> memref<8x1024xf32, #tpu.memory_space<hbm>>
        tpu.enqueue_dma source(%dma_start3A_177 : memref<8x1024xf32, #tpu.memory_space<hbm>>) target(%dma_start3A_175 : memref<8x1024xf32, #tpu.memory_space<vmem>>) target_semaphore(%arg14 : memref<!tpu.dma_semaphore, #tpu.memory_space<semaphore_mem>>)
        %dma_start3A_178 = arith.constant 48 : i32
        %dma_start3A_179 = arith.constant 0 : i32
        %dma_start3A_180 = tpu.memref_slice %arg11[%dma_start3A_178, %dma_start3A_179] : memref<64x1024xf32, #tpu.memory_space<vmem>> -> memref<8x1024xf32, #tpu.memory_space<vmem>>
        %dma_start3A_181 = arith.constant 48 : i32
        %dma_start3A_182 = tpu.memref_slice %arg5[%dma_start3A_181, %multiple_of3A_36] : memref<64x1000000xf32, #tpu.memory_space<hbm>> -> memref<8x1024xf32, #tpu.memory_space<hbm>>
        %dma_start3A_183 = arith.constant 48 : i32
        %dma_start3A_184 = arith.constant 0 : i32
        %dma_start3A_185 = tpu.memref_slice %arg11[%dma_start3A_183, %dma_start3A_184] : memref<64x1024xf32, #tpu.memory_space<vmem>> -> memref<8x1024xf32, #tpu.memory_space<vmem>>
        %dma_start3A_186 = arith.constant 48 : i32
        %dma_start3A_187 = tpu.memref_slice %arg5[%dma_start3A_186, %multiple_of3A_36] : memref<64x1000000xf32, #tpu.memory_space<hbm>> -> memref<8x1024xf32, #tpu.memory_space<hbm>>
        tpu.enqueue_dma source(%dma_start3A_187 : memref<8x1024xf32, #tpu.memory_space<hbm>>) target(%dma_start3A_185 : memref<8x1024xf32, #tpu.memory_space<vmem>>) target_semaphore(%arg14 : memref<!tpu.dma_semaphore, #tpu.memory_space<semaphore_mem>>)
        %dma_start3A_188 = arith.constant 56 : i32
        %dma_start3A_189 = arith.constant 0 : i32
        %dma_start3A_190 = tpu.memref_slice %arg11[%dma_start3A_188, %dma_start3A_189] : memref<64x1024xf32, #tpu.memory_space<vmem>> -> memref<8x1024xf32, #tpu.memory_space<vmem>>
        %dma_start3A_191 = arith.constant 56 : i32
        %dma_start3A_192 = tpu.memref_slice %arg5[%dma_start3A_191, %multiple_of3A_36] : memref<64x1000000xf32, #tpu.memory_space<hbm>> -> memref<8x1024xf32, #tpu.memory_space<hbm>>
        %dma_start3A_193 = arith.constant 56 : i32
        %dma_start3A_194 = arith.constant 0 : i32
        %dma_start3A_195 = tpu.memref_slice %arg11[%dma_start3A_193, %dma_start3A_194] : memref<64x1024xf32, #tpu.memory_space<vmem>> -> memref<8x1024xf32, #tpu.memory_space<vmem>>
        %dma_start3A_196 = arith.constant 56 : i32
        %dma_start3A_197 = tpu.memref_slice %arg5[%dma_start3A_196, %multiple_of3A_36] : memref<64x1000000xf32, #tpu.memory_space<hbm>> -> memref<8x1024xf32, #tpu.memory_space<hbm>>
        tpu.enqueue_dma source(%dma_start3A_197 : memref<8x1024xf32, #tpu.memory_space<hbm>>) target(%dma_start3A_195 : memref<8x1024xf32, #tpu.memory_space<vmem>>) target_semaphore(%arg14 : memref<!tpu.dma_semaphore, #tpu.memory_space<semaphore_mem>>)
        %dma_wait3A = arith.constant 0 : i32
        %dma_wait3A_198 = arith.constant 0 : i32
        %dma_wait3A_199 = tpu.memref_slice %arg11[%dma_wait3A, %dma_wait3A_198] : memref<64x1024xf32, #tpu.memory_space<vmem>> -> memref<8x1024xf32, #tpu.memory_space<vmem>>
        %dma_wait3A_200 = arith.constant 0 : i32
        %dma_wait3A_201 = tpu.memref_slice %arg5[%dma_wait3A_200, %multiple_of3A_36] : memref<64x1000000xf32, #tpu.memory_space<hbm>> -> memref<8x1024xf32, #tpu.memory_space<hbm>>
        %dma_wait3A_202 = arith.constant 0 : i32
        %dma_wait3A_203 = arith.constant 0 : i32
        %dma_wait3A_204 = tpu.memref_slice %arg11[%dma_wait3A_202, %dma_wait3A_203] : memref<64x1024xf32, #tpu.memory_space<vmem>> -> memref<8x1024xf32, #tpu.memory_space<vmem>>
        %dma_wait3A_205 = arith.constant 0 : i32
        %dma_wait3A_206 = tpu.memref_slice %arg5[%dma_wait3A_205, %multiple_of3A_36] : memref<64x1000000xf32, #tpu.memory_space<hbm>> -> memref<8x1024xf32, #tpu.memory_space<hbm>>
        tpu.wait_dma2 semaphore(%arg14 : memref<!tpu.dma_semaphore, #tpu.memory_space<semaphore_mem>>) src(%dma_wait3A_206 : memref<8x1024xf32, #tpu.memory_space<hbm>>) dst(%dma_wait3A_204 : memref<8x1024xf32, #tpu.memory_space<vmem>>)
        %dma_wait3A_207 = arith.constant 8 : i32
        %dma_wait3A_208 = arith.constant 0 : i32
        %dma_wait3A_209 = tpu.memref_slice %arg11[%dma_wait3A_207, %dma_wait3A_208] : memref<64x1024xf32, #tpu.memory_space<vmem>> -> memref<8x1024xf32, #tpu.memory_space<vmem>>
        %dma_wait3A_210 = arith.constant 8 : i32
        %dma_wait3A_211 = tpu.memref_slice %arg5[%dma_wait3A_210, %multiple_of3A_36] : memref<64x1000000xf32, #tpu.memory_space<hbm>> -> memref<8x1024xf32, #tpu.memory_space<hbm>>
        %dma_wait3A_212 = arith.constant 8 : i32
        %dma_wait3A_213 = arith.constant 0 : i32
        %dma_wait3A_214 = tpu.memref_slice %arg11[%dma_wait3A_212, %dma_wait3A_213] : memref<64x1024xf32, #tpu.memory_space<vmem>> -> memref<8x1024xf32, #tpu.memory_space<vmem>>
        %dma_wait3A_215 = arith.constant 8 : i32
        %dma_wait3A_216 = tpu.memref_slice %arg5[%dma_wait3A_215, %multiple_of3A_36] : memref<64x1000000xf32, #tpu.memory_space<hbm>> -> memref<8x1024xf32, #tpu.memory_space<hbm>>
        tpu.wait_dma2 semaphore(%arg14 : memref<!tpu.dma_semaphore, #tpu.memory_space<semaphore_mem>>) src(%dma_wait3A_216 : memref<8x1024xf32, #tpu.memory_space<hbm>>) dst(%dma_wait3A_214 : memref<8x1024xf32, #tpu.memory_space<vmem>>)
        %dma_wait3A_217 = arith.constant 16 : i32
        %dma_wait3A_218 = arith.constant 0 : i32
        %dma_wait3A_219 = tpu.memref_slice %arg11[%dma_wait3A_217, %dma_wait3A_218] : memref<64x1024xf32, #tpu.memory_space<vmem>> -> memref<8x1024xf32, #tpu.memory_space<vmem>>
        %dma_wait3A_220 = arith.constant 16 : i32
        %dma_wait3A_221 = tpu.memref_slice %arg5[%dma_wait3A_220, %multiple_of3A_36] : memref<64x1000000xf32, #tpu.memory_space<hbm>> -> memref<8x1024xf32, #tpu.memory_space<hbm>>
        %dma_wait3A_222 = arith.constant 16 : i32
        %dma_wait3A_223 = arith.constant 0 : i32
        %dma_wait3A_224 = tpu.memref_slice %arg11[%dma_wait3A_222, %dma_wait3A_223] : memref<64x1024xf32, #tpu.memory_space<vmem>> -> memref<8x1024xf32, #tpu.memory_space<vmem>>
        %dma_wait3A_225 = arith.constant 16 : i32
        %dma_wait3A_226 = tpu.memref_slice %arg5[%dma_wait3A_225, %multiple_of3A_36] : memref<64x1000000xf32, #tpu.memory_space<hbm>> -> memref<8x1024xf32, #tpu.memory_space<hbm>>
        tpu.wait_dma2 semaphore(%arg14 : memref<!tpu.dma_semaphore, #tpu.memory_space<semaphore_mem>>) src(%dma_wait3A_226 : memref<8x1024xf32, #tpu.memory_space<hbm>>) dst(%dma_wait3A_224 : memref<8x1024xf32, #tpu.memory_space<vmem>>)
        %dma_wait3A_227 = arith.constant 24 : i32
        %dma_wait3A_228 = arith.constant 0 : i32
        %dma_wait3A_229 = tpu.memref_slice %arg11[%dma_wait3A_227, %dma_wait3A_228] : memref<64x1024xf32, #tpu.memory_space<vmem>> -> memref<8x1024xf32, #tpu.memory_space<vmem>>
        %dma_wait3A_230 = arith.constant 24 : i32
        %dma_wait3A_231 = tpu.memref_slice %arg5[%dma_wait3A_230, %multiple_of3A_36] : memref<64x1000000xf32, #tpu.memory_space<hbm>> -> memref<8x1024xf32, #tpu.memory_space<hbm>>
        %dma_wait3A_232 = arith.constant 24 : i32
        %dma_wait3A_233 = arith.constant 0 : i32
        %dma_wait3A_234 = tpu.memref_slice %arg11[%dma_wait3A_232, %dma_wait3A_233] : memref<64x1024xf32, #tpu.memory_space<vmem>> -> memref<8x1024xf32, #tpu.memory_space<vmem>>
        %dma_wait3A_235 = arith.constant 24 : i32
        %dma_wait3A_236 = tpu.memref_slice %arg5[%dma_wait3A_235, %multiple_of3A_36] : memref<64x1000000xf32, #tpu.memory_space<hbm>> -> memref<8x1024xf32, #tpu.memory_space<hbm>>
        tpu.wait_dma2 semaphore(%arg14 : memref<!tpu.dma_semaphore, #tpu.memory_space<semaphore_mem>>) src(%dma_wait3A_236 : memref<8x1024xf32, #tpu.memory_space<hbm>>) dst(%dma_wait3A_234 : memref<8x1024xf32, #tpu.memory_space<vmem>>)
        %dma_wait3A_237 = arith.constant 32 : i32
        %dma_wait3A_238 = arith.constant 0 : i32
        %dma_wait3A_239 = tpu.memref_slice %arg11[%dma_wait3A_237, %dma_wait3A_238] : memref<64x1024xf32, #tpu.memory_space<vmem>> -> memref<8x1024xf32, #tpu.memory_space<vmem>>
        %dma_wait3A_240 = arith.constant 32 : i32
        %dma_wait3A_241 = tpu.memref_slice %arg5[%dma_wait3A_240, %multiple_of3A_36] : memref<64x1000000xf32, #tpu.memory_space<hbm>> -> memref<8x1024xf32, #tpu.memory_space<hbm>>
        %dma_wait3A_242 = arith.constant 32 : i32
        %dma_wait3A_243 = arith.constant 0 : i32
        %dma_wait3A_244 = tpu.memref_slice %arg11[%dma_wait3A_242, %dma_wait3A_243] : memref<64x1024xf32, #tpu.memory_space<vmem>> -> memref<8x1024xf32, #tpu.memory_space<vmem>>
        %dma_wait3A_245 = arith.constant 32 : i32
        %dma_wait3A_246 = tpu.memref_slice %arg5[%dma_wait3A_245, %multiple_of3A_36] : memref<64x1000000xf32, #tpu.memory_space<hbm>> -> memref<8x1024xf32, #tpu.memory_space<hbm>>
        tpu.wait_dma2 semaphore(%arg14 : memref<!tpu.dma_semaphore, #tpu.memory_space<semaphore_mem>>) src(%dma_wait3A_246 : memref<8x1024xf32, #tpu.memory_space<hbm>>) dst(%dma_wait3A_244 : memref<8x1024xf32, #tpu.memory_space<vmem>>)
        %dma_wait3A_247 = arith.constant 40 : i32
        %dma_wait3A_248 = arith.constant 0 : i32
        %dma_wait3A_249 = tpu.memref_slice %arg11[%dma_wait3A_247, %dma_wait3A_248] : memref<64x1024xf32, #tpu.memory_space<vmem>> -> memref<8x1024xf32, #tpu.memory_space<vmem>>
        %dma_wait3A_250 = arith.constant 40 : i32
        %dma_wait3A_251 = tpu.memref_slice %arg5[%dma_wait3A_250, %multiple_of3A_36] : memref<64x1000000xf32, #tpu.memory_space<hbm>> -> memref<8x1024xf32, #tpu.memory_space<hbm>>
        %dma_wait3A_252 = arith.constant 40 : i32
        %dma_wait3A_253 = arith.constant 0 : i32
        %dma_wait3A_254 = tpu.memref_slice %arg11[%dma_wait3A_252, %dma_wait3A_253] : memref<64x1024xf32, #tpu.memory_space<vmem>> -> memref<8x1024xf32, #tpu.memory_space<vmem>>
        %dma_wait3A_255 = arith.constant 40 : i32
        %dma_wait3A_256 = tpu.memref_slice %arg5[%dma_wait3A_255, %multiple_of3A_36] : memref<64x1000000xf32, #tpu.memory_space<hbm>> -> memref<8x1024xf32, #tpu.memory_space<hbm>>
        tpu.wait_dma2 semaphore(%arg14 : memref<!tpu.dma_semaphore, #tpu.memory_space<semaphore_mem>>) src(%dma_wait3A_256 : memref<8x1024xf32, #tpu.memory_space<hbm>>) dst(%dma_wait3A_254 : memref<8x1024xf32, #tpu.memory_space<vmem>>)
        %dma_wait3A_257 = arith.constant 48 : i32
        %dma_wait3A_258 = arith.constant 0 : i32
        %dma_wait3A_259 = tpu.memref_slice %arg11[%dma_wait3A_257, %dma_wait3A_258] : memref<64x1024xf32, #tpu.memory_space<vmem>> -> memref<8x1024xf32, #tpu.memory_space<vmem>>
        %dma_wait3A_260 = arith.constant 48 : i32
        %dma_wait3A_261 = tpu.memref_slice %arg5[%dma_wait3A_260, %multiple_of3A_36] : memref<64x1000000xf32, #tpu.memory_space<hbm>> -> memref<8x1024xf32, #tpu.memory_space<hbm>>
        %dma_wait3A_262 = arith.constant 48 : i32
        %dma_wait3A_263 = arith.constant 0 : i32
        %dma_wait3A_264 = tpu.memref_slice %arg11[%dma_wait3A_262, %dma_wait3A_263] : memref<64x1024xf32, #tpu.memory_space<vmem>> -> memref<8x1024xf32, #tpu.memory_space<vmem>>
        %dma_wait3A_265 = arith.constant 48 : i32
        %dma_wait3A_266 = tpu.memref_slice %arg5[%dma_wait3A_265, %multiple_of3A_36] : memref<64x1000000xf32, #tpu.memory_space<hbm>> -> memref<8x1024xf32, #tpu.memory_space<hbm>>
        tpu.wait_dma2 semaphore(%arg14 : memref<!tpu.dma_semaphore, #tpu.memory_space<semaphore_mem>>) src(%dma_wait3A_266 : memref<8x1024xf32, #tpu.memory_space<hbm>>) dst(%dma_wait3A_264 : memref<8x1024xf32, #tpu.memory_space<vmem>>)
        %dma_wait3A_267 = arith.constant 56 : i32
        %dma_wait3A_268 = arith.constant 0 : i32
        %dma_wait3A_269 = tpu.memref_slice %arg11[%dma_wait3A_267, %dma_wait3A_268] : memref<64x1024xf32, #tpu.memory_space<vmem>> -> memref<8x1024xf32, #tpu.memory_space<vmem>>
        %dma_wait3A_270 = arith.constant 56 : i32
        %dma_wait3A_271 = tpu.memref_slice %arg5[%dma_wait3A_270, %multiple_of3A_36] : memref<64x1000000xf32, #tpu.memory_space<hbm>> -> memref<8x1024xf32, #tpu.memory_space<hbm>>
        %dma_wait3A_272 = arith.constant 56 : i32
        %dma_wait3A_273 = arith.constant 0 : i32
        %dma_wait3A_274 = tpu.memref_slice %arg11[%dma_wait3A_272, %dma_wait3A_273] : memref<64x1024xf32, #tpu.memory_space<vmem>> -> memref<8x1024xf32, #tpu.memory_space<vmem>>
        %dma_wait3A_275 = arith.constant 56 : i32
        %dma_wait3A_276 = tpu.memref_slice %arg5[%dma_wait3A_275, %multiple_of3A_36] : memref<64x1000000xf32, #tpu.memory_space<hbm>> -> memref<8x1024xf32, #tpu.memory_space<hbm>>
        tpu.wait_dma2 semaphore(%arg14 : memref<!tpu.dma_semaphore, #tpu.memory_space<semaphore_mem>>) src(%dma_wait3A_276 : memref<8x1024xf32, #tpu.memory_space<hbm>>) dst(%dma_wait3A_274 : memref<8x1024xf32, #tpu.memory_space<vmem>>)
      } else {
      }
      %eq3A = arith.constant 999424 : i32
      %eq3A_41 = arith.cmpi eq, %multiple_of3A_36, %eq3A : i32
      %convert_element_type3A_42 = arith.extui %eq3A_41 : i1 to i32
      %cond3A_43 = arith.constant 0 : i32
      %cond3A_44 = arith.cmpi ne, %convert_element_type3A_42, %cond3A_43 : i32
      scf.if %cond3A_44 {
        %dma_start3A = arith.constant 0 : i32
        %dma_start3A_119 = arith.constant 0 : i32
        %dma_start3A_120 = tpu.memref_slice %arg11[%dma_start3A, %dma_start3A_119] : memref<64x1024xf32, #tpu.memory_space<vmem>> -> memref<8x640xf32, #tpu.memory_space<vmem>>
        %dma_start3A_121 = arith.constant 0 : i32
        %dma_start3A_122 = arith.constant 0 : i32
        %dma_start3A_123 = tpu.memref_slice %arg6[%dma_start3A_121, %dma_start3A_122] : memref<64x640xf32, #tpu.memory_space<hbm>> -> memref<8x640xf32, #tpu.memory_space<hbm>>
        %dma_start3A_124 = arith.constant 0 : i32
        %dma_start3A_125 = arith.constant 0 : i32
        %dma_start3A_126 = tpu.memref_slice %arg11[%dma_start3A_124, %dma_start3A_125] : memref<64x1024xf32, #tpu.memory_space<vmem>> -> memref<8x640xf32, #tpu.memory_space<vmem>>
        %dma_start3A_127 = arith.constant 0 : i32
        %dma_start3A_128 = arith.constant 0 : i32
        %dma_start3A_129 = tpu.memref_slice %arg6[%dma_start3A_127, %dma_start3A_128] : memref<64x640xf32, #tpu.memory_space<hbm>> -> memref<8x640xf32, #tpu.memory_space<hbm>>
        tpu.enqueue_dma source(%dma_start3A_129 : memref<8x640xf32, #tpu.memory_space<hbm>>) target(%dma_start3A_126 : memref<8x640xf32, #tpu.memory_space<vmem>>) target_semaphore(%arg14 : memref<!tpu.dma_semaphore, #tpu.memory_space<semaphore_mem>>)
        %dma_start3A_130 = arith.constant 8 : i32
        %dma_start3A_131 = arith.constant 0 : i32
        %dma_start3A_132 = tpu.memref_slice %arg11[%dma_start3A_130, %dma_start3A_131] : memref<64x1024xf32, #tpu.memory_space<vmem>> -> memref<8x640xf32, #tpu.memory_space<vmem>>
        %dma_start3A_133 = arith.constant 8 : i32
        %dma_start3A_134 = arith.constant 0 : i32
        %dma_start3A_135 = tpu.memref_slice %arg6[%dma_start3A_133, %dma_start3A_134] : memref<64x640xf32, #tpu.memory_space<hbm>> -> memref<8x640xf32, #tpu.memory_space<hbm>>
        %dma_start3A_136 = arith.constant 8 : i32
        %dma_start3A_137 = arith.constant 0 : i32
        %dma_start3A_138 = tpu.memref_slice %arg11[%dma_start3A_136, %dma_start3A_137] : memref<64x1024xf32, #tpu.memory_space<vmem>> -> memref<8x640xf32, #tpu.memory_space<vmem>>
        %dma_start3A_139 = arith.constant 8 : i32
        %dma_start3A_140 = arith.constant 0 : i32
        %dma_start3A_141 = tpu.memref_slice %arg6[%dma_start3A_139, %dma_start3A_140] : memref<64x640xf32, #tpu.memory_space<hbm>> -> memref<8x640xf32, #tpu.memory_space<hbm>>
        tpu.enqueue_dma source(%dma_start3A_141 : memref<8x640xf32, #tpu.memory_space<hbm>>) target(%dma_start3A_138 : memref<8x640xf32, #tpu.memory_space<vmem>>) target_semaphore(%arg14 : memref<!tpu.dma_semaphore, #tpu.memory_space<semaphore_mem>>)
        %dma_start3A_142 = arith.constant 16 : i32
        %dma_start3A_143 = arith.constant 0 : i32
        %dma_start3A_144 = tpu.memref_slice %arg11[%dma_start3A_142, %dma_start3A_143] : memref<64x1024xf32, #tpu.memory_space<vmem>> -> memref<8x640xf32, #tpu.memory_space<vmem>>
        %dma_start3A_145 = arith.constant 16 : i32
        %dma_start3A_146 = arith.constant 0 : i32
        %dma_start3A_147 = tpu.memref_slice %arg6[%dma_start3A_145, %dma_start3A_146] : memref<64x640xf32, #tpu.memory_space<hbm>> -> memref<8x640xf32, #tpu.memory_space<hbm>>
        %dma_start3A_148 = arith.constant 16 : i32
        %dma_start3A_149 = arith.constant 0 : i32
        %dma_start3A_150 = tpu.memref_slice %arg11[%dma_start3A_148, %dma_start3A_149] : memref<64x1024xf32, #tpu.memory_space<vmem>> -> memref<8x640xf32, #tpu.memory_space<vmem>>
        %dma_start3A_151 = arith.constant 16 : i32
        %dma_start3A_152 = arith.constant 0 : i32
        %dma_start3A_153 = tpu.memref_slice %arg6[%dma_start3A_151, %dma_start3A_152] : memref<64x640xf32, #tpu.memory_space<hbm>> -> memref<8x640xf32, #tpu.memory_space<hbm>>
        tpu.enqueue_dma source(%dma_start3A_153 : memref<8x640xf32, #tpu.memory_space<hbm>>) target(%dma_start3A_150 : memref<8x640xf32, #tpu.memory_space<vmem>>) target_semaphore(%arg14 : memref<!tpu.dma_semaphore, #tpu.memory_space<semaphore_mem>>)
        %dma_start3A_154 = arith.constant 24 : i32
        %dma_start3A_155 = arith.constant 0 : i32
        %dma_start3A_156 = tpu.memref_slice %arg11[%dma_start3A_154, %dma_start3A_155] : memref<64x1024xf32, #tpu.memory_space<vmem>> -> memref<8x640xf32, #tpu.memory_space<vmem>>
        %dma_start3A_157 = arith.constant 24 : i32
        %dma_start3A_158 = arith.constant 0 : i32
        %dma_start3A_159 = tpu.memref_slice %arg6[%dma_start3A_157, %dma_start3A_158] : memref<64x640xf32, #tpu.memory_space<hbm>> -> memref<8x640xf32, #tpu.memory_space<hbm>>
        %dma_start3A_160 = arith.constant 24 : i32
        %dma_start3A_161 = arith.constant 0 : i32
        %dma_start3A_162 = tpu.memref_slice %arg11[%dma_start3A_160, %dma_start3A_161] : memref<64x1024xf32, #tpu.memory_space<vmem>> -> memref<8x640xf32, #tpu.memory_space<vmem>>
        %dma_start3A_163 = arith.constant 24 : i32
        %dma_start3A_164 = arith.constant 0 : i32
        %dma_start3A_165 = tpu.memref_slice %arg6[%dma_start3A_163, %dma_start3A_164] : memref<64x640xf32, #tpu.memory_space<hbm>> -> memref<8x640xf32, #tpu.memory_space<hbm>>
        tpu.enqueue_dma source(%dma_start3A_165 : memref<8x640xf32, #tpu.memory_space<hbm>>) target(%dma_start3A_162 : memref<8x640xf32, #tpu.memory_space<vmem>>) target_semaphore(%arg14 : memref<!tpu.dma_semaphore, #tpu.memory_space<semaphore_mem>>)
        %dma_start3A_166 = arith.constant 32 : i32
        %dma_start3A_167 = arith.constant 0 : i32
        %dma_start3A_168 = tpu.memref_slice %arg11[%dma_start3A_166, %dma_start3A_167] : memref<64x1024xf32, #tpu.memory_space<vmem>> -> memref<8x640xf32, #tpu.memory_space<vmem>>
        %dma_start3A_169 = arith.constant 32 : i32
        %dma_start3A_170 = arith.constant 0 : i32
        %dma_start3A_171 = tpu.memref_slice %arg6[%dma_start3A_169, %dma_start3A_170] : memref<64x640xf32, #tpu.memory_space<hbm>> -> memref<8x640xf32, #tpu.memory_space<hbm>>
        %dma_start3A_172 = arith.constant 32 : i32
        %dma_start3A_173 = arith.constant 0 : i32
        %dma_start3A_174 = tpu.memref_slice %arg11[%dma_start3A_172, %dma_start3A_173] : memref<64x1024xf32, #tpu.memory_space<vmem>> -> memref<8x640xf32, #tpu.memory_space<vmem>>
        %dma_start3A_175 = arith.constant 32 : i32
        %dma_start3A_176 = arith.constant 0 : i32
        %dma_start3A_177 = tpu.memref_slice %arg6[%dma_start3A_175, %dma_start3A_176] : memref<64x640xf32, #tpu.memory_space<hbm>> -> memref<8x640xf32, #tpu.memory_space<hbm>>
        tpu.enqueue_dma source(%dma_start3A_177 : memref<8x640xf32, #tpu.memory_space<hbm>>) target(%dma_start3A_174 : memref<8x640xf32, #tpu.memory_space<vmem>>) target_semaphore(%arg14 : memref<!tpu.dma_semaphore, #tpu.memory_space<semaphore_mem>>)
        %dma_start3A_178 = arith.constant 40 : i32
        %dma_start3A_179 = arith.constant 0 : i32
        %dma_start3A_180 = tpu.memref_slice %arg11[%dma_start3A_178, %dma_start3A_179] : memref<64x1024xf32, #tpu.memory_space<vmem>> -> memref<8x640xf32, #tpu.memory_space<vmem>>
        %dma_start3A_181 = arith.constant 40 : i32
        %dma_start3A_182 = arith.constant 0 : i32
        %dma_start3A_183 = tpu.memref_slice %arg6[%dma_start3A_181, %dma_start3A_182] : memref<64x640xf32, #tpu.memory_space<hbm>> -> memref<8x640xf32, #tpu.memory_space<hbm>>
        %dma_start3A_184 = arith.constant 40 : i32
        %dma_start3A_185 = arith.constant 0 : i32
        %dma_start3A_186 = tpu.memref_slice %arg11[%dma_start3A_184, %dma_start3A_185] : memref<64x1024xf32, #tpu.memory_space<vmem>> -> memref<8x640xf32, #tpu.memory_space<vmem>>
        %dma_start3A_187 = arith.constant 40 : i32
        %dma_start3A_188 = arith.constant 0 : i32
        %dma_start3A_189 = tpu.memref_slice %arg6[%dma_start3A_187, %dma_start3A_188] : memref<64x640xf32, #tpu.memory_space<hbm>> -> memref<8x640xf32, #tpu.memory_space<hbm>>
        tpu.enqueue_dma source(%dma_start3A_189 : memref<8x640xf32, #tpu.memory_space<hbm>>) target(%dma_start3A_186 : memref<8x640xf32, #tpu.memory_space<vmem>>) target_semaphore(%arg14 : memref<!tpu.dma_semaphore, #tpu.memory_space<semaphore_mem>>)
        %dma_start3A_190 = arith.constant 48 : i32
        %dma_start3A_191 = arith.constant 0 : i32
        %dma_start3A_192 = tpu.memref_slice %arg11[%dma_start3A_190, %dma_start3A_191] : memref<64x1024xf32, #tpu.memory_space<vmem>> -> memref<8x640xf32, #tpu.memory_space<vmem>>
        %dma_start3A_193 = arith.constant 48 : i32
        %dma_start3A_194 = arith.constant 0 : i32
        %dma_start3A_195 = tpu.memref_slice %arg6[%dma_start3A_193, %dma_start3A_194] : memref<64x640xf32, #tpu.memory_space<hbm>> -> memref<8x640xf32, #tpu.memory_space<hbm>>
        %dma_start3A_196 = arith.constant 48 : i32
        %dma_start3A_197 = arith.constant 0 : i32
        %dma_start3A_198 = tpu.memref_slice %arg11[%dma_start3A_196, %dma_start3A_197] : memref<64x1024xf32, #tpu.memory_space<vmem>> -> memref<8x640xf32, #tpu.memory_space<vmem>>
        %dma_start3A_199 = arith.constant 48 : i32
        %dma_start3A_200 = arith.constant 0 : i32
        %dma_start3A_201 = tpu.memref_slice %arg6[%dma_start3A_199, %dma_start3A_200] : memref<64x640xf32, #tpu.memory_space<hbm>> -> memref<8x640xf32, #tpu.memory_space<hbm>>
        tpu.enqueue_dma source(%dma_start3A_201 : memref<8x640xf32, #tpu.memory_space<hbm>>) target(%dma_start3A_198 : memref<8x640xf32, #tpu.memory_space<vmem>>) target_semaphore(%arg14 : memref<!tpu.dma_semaphore, #tpu.memory_space<semaphore_mem>>)
        %dma_start3A_202 = arith.constant 56 : i32
        %dma_start3A_203 = arith.constant 0 : i32
        %dma_start3A_204 = tpu.memref_slice %arg11[%dma_start3A_202, %dma_start3A_203] : memref<64x1024xf32, #tpu.memory_space<vmem>> -> memref<8x640xf32, #tpu.memory_space<vmem>>
        %dma_start3A_205 = arith.constant 56 : i32
        %dma_start3A_206 = arith.constant 0 : i32
        %dma_start3A_207 = tpu.memref_slice %arg6[%dma_start3A_205, %dma_start3A_206] : memref<64x640xf32, #tpu.memory_space<hbm>> -> memref<8x640xf32, #tpu.memory_space<hbm>>
        %dma_start3A_208 = arith.constant 56 : i32
        %dma_start3A_209 = arith.constant 0 : i32
        %dma_start3A_210 = tpu.memref_slice %arg11[%dma_start3A_208, %dma_start3A_209] : memref<64x1024xf32, #tpu.memory_space<vmem>> -> memref<8x640xf32, #tpu.memory_space<vmem>>
        %dma_start3A_211 = arith.constant 56 : i32
        %dma_start3A_212 = arith.constant 0 : i32
        %dma_start3A_213 = tpu.memref_slice %arg6[%dma_start3A_211, %dma_start3A_212] : memref<64x640xf32, #tpu.memory_space<hbm>> -> memref<8x640xf32, #tpu.memory_space<hbm>>
        tpu.enqueue_dma source(%dma_start3A_213 : memref<8x640xf32, #tpu.memory_space<hbm>>) target(%dma_start3A_210 : memref<8x640xf32, #tpu.memory_space<vmem>>) target_semaphore(%arg14 : memref<!tpu.dma_semaphore, #tpu.memory_space<semaphore_mem>>)
        %dma_wait3A = arith.constant 0 : i32
        %dma_wait3A_214 = arith.constant 0 : i32
        %dma_wait3A_215 = tpu.memref_slice %arg11[%dma_wait3A, %dma_wait3A_214] : memref<64x1024xf32, #tpu.memory_space<vmem>> -> memref<8x640xf32, #tpu.memory_space<vmem>>
        %dma_wait3A_216 = arith.constant 0 : i32
        %dma_wait3A_217 = arith.constant 0 : i32
        %dma_wait3A_218 = tpu.memref_slice %arg6[%dma_wait3A_216, %dma_wait3A_217] : memref<64x640xf32, #tpu.memory_space<hbm>> -> memref<8x640xf32, #tpu.memory_space<hbm>>
        %dma_wait3A_219 = arith.constant 0 : i32
        %dma_wait3A_220 = arith.constant 0 : i32
        %dma_wait3A_221 = tpu.memref_slice %arg11[%dma_wait3A_219, %dma_wait3A_220] : memref<64x1024xf32, #tpu.memory_space<vmem>> -> memref<8x640xf32, #tpu.memory_space<vmem>>
        %dma_wait3A_222 = arith.constant 0 : i32
        %dma_wait3A_223 = arith.constant 0 : i32
        %dma_wait3A_224 = tpu.memref_slice %arg6[%dma_wait3A_222, %dma_wait3A_223] : memref<64x640xf32, #tpu.memory_space<hbm>> -> memref<8x640xf32, #tpu.memory_space<hbm>>
        tpu.wait_dma2 semaphore(%arg14 : memref<!tpu.dma_semaphore, #tpu.memory_space<semaphore_mem>>) src(%dma_wait3A_224 : memref<8x640xf32, #tpu.memory_space<hbm>>) dst(%dma_wait3A_221 : memref<8x640xf32, #tpu.memory_space<vmem>>)
        %dma_wait3A_225 = arith.constant 8 : i32
        %dma_wait3A_226 = arith.constant 0 : i32
        %dma_wait3A_227 = tpu.memref_slice %arg11[%dma_wait3A_225, %dma_wait3A_226] : memref<64x1024xf32, #tpu.memory_space<vmem>> -> memref<8x640xf32, #tpu.memory_space<vmem>>
        %dma_wait3A_228 = arith.constant 8 : i32
        %dma_wait3A_229 = arith.constant 0 : i32
        %dma_wait3A_230 = tpu.memref_slice %arg6[%dma_wait3A_228, %dma_wait3A_229] : memref<64x640xf32, #tpu.memory_space<hbm>> -> memref<8x640xf32, #tpu.memory_space<hbm>>
        %dma_wait3A_231 = arith.constant 8 : i32
        %dma_wait3A_232 = arith.constant 0 : i32
        %dma_wait3A_233 = tpu.memref_slice %arg11[%dma_wait3A_231, %dma_wait3A_232] : memref<64x1024xf32, #tpu.memory_space<vmem>> -> memref<8x640xf32, #tpu.memory_space<vmem>>
        %dma_wait3A_234 = arith.constant 8 : i32
        %dma_wait3A_235 = arith.constant 0 : i32
        %dma_wait3A_236 = tpu.memref_slice %arg6[%dma_wait3A_234, %dma_wait3A_235] : memref<64x640xf32, #tpu.memory_space<hbm>> -> memref<8x640xf32, #tpu.memory_space<hbm>>
        tpu.wait_dma2 semaphore(%arg14 : memref<!tpu.dma_semaphore, #tpu.memory_space<semaphore_mem>>) src(%dma_wait3A_236 : memref<8x640xf32, #tpu.memory_space<hbm>>) dst(%dma_wait3A_233 : memref<8x640xf32, #tpu.memory_space<vmem>>)
        %dma_wait3A_237 = arith.constant 16 : i32
        %dma_wait3A_238 = arith.constant 0 : i32
        %dma_wait3A_239 = tpu.memref_slice %arg11[%dma_wait3A_237, %dma_wait3A_238] : memref<64x1024xf32, #tpu.memory_space<vmem>> -> memref<8x640xf32, #tpu.memory_space<vmem>>
        %dma_wait3A_240 = arith.constant 16 : i32
        %dma_wait3A_241 = arith.constant 0 : i32
        %dma_wait3A_242 = tpu.memref_slice %arg6[%dma_wait3A_240, %dma_wait3A_241] : memref<64x640xf32, #tpu.memory_space<hbm>> -> memref<8x640xf32, #tpu.memory_space<hbm>>
        %dma_wait3A_243 = arith.constant 16 : i32
        %dma_wait3A_244 = arith.constant 0 : i32
        %dma_wait3A_245 = tpu.memref_slice %arg11[%dma_wait3A_243, %dma_wait3A_244] : memref<64x1024xf32, #tpu.memory_space<vmem>> -> memref<8x640xf32, #tpu.memory_space<vmem>>
        %dma_wait3A_246 = arith.constant 16 : i32
        %dma_wait3A_247 = arith.constant 0 : i32
        %dma_wait3A_248 = tpu.memref_slice %arg6[%dma_wait3A_246, %dma_wait3A_247] : memref<64x640xf32, #tpu.memory_space<hbm>> -> memref<8x640xf32, #tpu.memory_space<hbm>>
        tpu.wait_dma2 semaphore(%arg14 : memref<!tpu.dma_semaphore, #tpu.memory_space<semaphore_mem>>) src(%dma_wait3A_248 : memref<8x640xf32, #tpu.memory_space<hbm>>) dst(%dma_wait3A_245 : memref<8x640xf32, #tpu.memory_space<vmem>>)
        %dma_wait3A_249 = arith.constant 24 : i32
        %dma_wait3A_250 = arith.constant 0 : i32
        %dma_wait3A_251 = tpu.memref_slice %arg11[%dma_wait3A_249, %dma_wait3A_250] : memref<64x1024xf32, #tpu.memory_space<vmem>> -> memref<8x640xf32, #tpu.memory_space<vmem>>
        %dma_wait3A_252 = arith.constant 24 : i32
        %dma_wait3A_253 = arith.constant 0 : i32
        %dma_wait3A_254 = tpu.memref_slice %arg6[%dma_wait3A_252, %dma_wait3A_253] : memref<64x640xf32, #tpu.memory_space<hbm>> -> memref<8x640xf32, #tpu.memory_space<hbm>>
        %dma_wait3A_255 = arith.constant 24 : i32
        %dma_wait3A_256 = arith.constant 0 : i32
        %dma_wait3A_257 = tpu.memref_slice %arg11[%dma_wait3A_255, %dma_wait3A_256] : memref<64x1024xf32, #tpu.memory_space<vmem>> -> memref<8x640xf32, #tpu.memory_space<vmem>>
        %dma_wait3A_258 = arith.constant 24 : i32
        %dma_wait3A_259 = arith.constant 0 : i32
        %dma_wait3A_260 = tpu.memref_slice %arg6[%dma_wait3A_258, %dma_wait3A_259] : memref<64x640xf32, #tpu.memory_space<hbm>> -> memref<8x640xf32, #tpu.memory_space<hbm>>
        tpu.wait_dma2 semaphore(%arg14 : memref<!tpu.dma_semaphore, #tpu.memory_space<semaphore_mem>>) src(%dma_wait3A_260 : memref<8x640xf32, #tpu.memory_space<hbm>>) dst(%dma_wait3A_257 : memref<8x640xf32, #tpu.memory_space<vmem>>)
        %dma_wait3A_261 = arith.constant 32 : i32
        %dma_wait3A_262 = arith.constant 0 : i32
        %dma_wait3A_263 = tpu.memref_slice %arg11[%dma_wait3A_261, %dma_wait3A_262] : memref<64x1024xf32, #tpu.memory_space<vmem>> -> memref<8x640xf32, #tpu.memory_space<vmem>>
        %dma_wait3A_264 = arith.constant 32 : i32
        %dma_wait3A_265 = arith.constant 0 : i32
        %dma_wait3A_266 = tpu.memref_slice %arg6[%dma_wait3A_264, %dma_wait3A_265] : memref<64x640xf32, #tpu.memory_space<hbm>> -> memref<8x640xf32, #tpu.memory_space<hbm>>
        %dma_wait3A_267 = arith.constant 32 : i32
        %dma_wait3A_268 = arith.constant 0 : i32
        %dma_wait3A_269 = tpu.memref_slice %arg11[%dma_wait3A_267, %dma_wait3A_268] : memref<64x1024xf32, #tpu.memory_space<vmem>> -> memref<8x640xf32, #tpu.memory_space<vmem>>
        %dma_wait3A_270 = arith.constant 32 : i32
        %dma_wait3A_271 = arith.constant 0 : i32
        %dma_wait3A_272 = tpu.memref_slice %arg6[%dma_wait3A_270, %dma_wait3A_271] : memref<64x640xf32, #tpu.memory_space<hbm>> -> memref<8x640xf32, #tpu.memory_space<hbm>>
        tpu.wait_dma2 semaphore(%arg14 : memref<!tpu.dma_semaphore, #tpu.memory_space<semaphore_mem>>) src(%dma_wait3A_272 : memref<8x640xf32, #tpu.memory_space<hbm>>) dst(%dma_wait3A_269 : memref<8x640xf32, #tpu.memory_space<vmem>>)
        %dma_wait3A_273 = arith.constant 40 : i32
        %dma_wait3A_274 = arith.constant 0 : i32
        %dma_wait3A_275 = tpu.memref_slice %arg11[%dma_wait3A_273, %dma_wait3A_274] : memref<64x1024xf32, #tpu.memory_space<vmem>> -> memref<8x640xf32, #tpu.memory_space<vmem>>
        %dma_wait3A_276 = arith.constant 40 : i32
        %dma_wait3A_277 = arith.constant 0 : i32
        %dma_wait3A_278 = tpu.memref_slice %arg6[%dma_wait3A_276, %dma_wait3A_277] : memref<64x640xf32, #tpu.memory_space<hbm>> -> memref<8x640xf32, #tpu.memory_space<hbm>>
        %dma_wait3A_279 = arith.constant 40 : i32
        %dma_wait3A_280 = arith.constant 0 : i32
        %dma_wait3A_281 = tpu.memref_slice %arg11[%dma_wait3A_279, %dma_wait3A_280] : memref<64x1024xf32, #tpu.memory_space<vmem>> -> memref<8x640xf32, #tpu.memory_space<vmem>>
        %dma_wait3A_282 = arith.constant 40 : i32
        %dma_wait3A_283 = arith.constant 0 : i32
        %dma_wait3A_284 = tpu.memref_slice %arg6[%dma_wait3A_282, %dma_wait3A_283] : memref<64x640xf32, #tpu.memory_space<hbm>> -> memref<8x640xf32, #tpu.memory_space<hbm>>
        tpu.wait_dma2 semaphore(%arg14 : memref<!tpu.dma_semaphore, #tpu.memory_space<semaphore_mem>>) src(%dma_wait3A_284 : memref<8x640xf32, #tpu.memory_space<hbm>>) dst(%dma_wait3A_281 : memref<8x640xf32, #tpu.memory_space<vmem>>)
        %dma_wait3A_285 = arith.constant 48 : i32
        %dma_wait3A_286 = arith.constant 0 : i32
        %dma_wait3A_287 = tpu.memref_slice %arg11[%dma_wait3A_285, %dma_wait3A_286] : memref<64x1024xf32, #tpu.memory_space<vmem>> -> memref<8x640xf32, #tpu.memory_space<vmem>>
        %dma_wait3A_288 = arith.constant 48 : i32
        %dma_wait3A_289 = arith.constant 0 : i32
        %dma_wait3A_290 = tpu.memref_slice %arg6[%dma_wait3A_288, %dma_wait3A_289] : memref<64x640xf32, #tpu.memory_space<hbm>> -> memref<8x640xf32, #tpu.memory_space<hbm>>
        %dma_wait3A_291 = arith.constant 48 : i32
        %dma_wait3A_292 = arith.constant 0 : i32
        %dma_wait3A_293 = tpu.memref_slice %arg11[%dma_wait3A_291, %dma_wait3A_292] : memref<64x1024xf32, #tpu.memory_space<vmem>> -> memref<8x640xf32, #tpu.memory_space<vmem>>
        %dma_wait3A_294 = arith.constant 48 : i32
        %dma_wait3A_295 = arith.constant 0 : i32
        %dma_wait3A_296 = tpu.memref_slice %arg6[%dma_wait3A_294, %dma_wait3A_295] : memref<64x640xf32, #tpu.memory_space<hbm>> -> memref<8x640xf32, #tpu.memory_space<hbm>>
        tpu.wait_dma2 semaphore(%arg14 : memref<!tpu.dma_semaphore, #tpu.memory_space<semaphore_mem>>) src(%dma_wait3A_296 : memref<8x640xf32, #tpu.memory_space<hbm>>) dst(%dma_wait3A_293 : memref<8x640xf32, #tpu.memory_space<vmem>>)
        %dma_wait3A_297 = arith.constant 56 : i32
        %dma_wait3A_298 = arith.constant 0 : i32
        %dma_wait3A_299 = tpu.memref_slice %arg11[%dma_wait3A_297, %dma_wait3A_298] : memref<64x1024xf32, #tpu.memory_space<vmem>> -> memref<8x640xf32, #tpu.memory_space<vmem>>
        %dma_wait3A_300 = arith.constant 56 : i32
        %dma_wait3A_301 = arith.constant 0 : i32
        %dma_wait3A_302 = tpu.memref_slice %arg6[%dma_wait3A_300, %dma_wait3A_301] : memref<64x640xf32, #tpu.memory_space<hbm>> -> memref<8x640xf32, #tpu.memory_space<hbm>>
        %dma_wait3A_303 = arith.constant 56 : i32
        %dma_wait3A_304 = arith.constant 0 : i32
        %dma_wait3A_305 = tpu.memref_slice %arg11[%dma_wait3A_303, %dma_wait3A_304] : memref<64x1024xf32, #tpu.memory_space<vmem>> -> memref<8x640xf32, #tpu.memory_space<vmem>>
        %dma_wait3A_306 = arith.constant 56 : i32
        %dma_wait3A_307 = arith.constant 0 : i32
        %dma_wait3A_308 = tpu.memref_slice %arg6[%dma_wait3A_306, %dma_wait3A_307] : memref<64x640xf32, #tpu.memory_space<hbm>> -> memref<8x640xf32, #tpu.memory_space<hbm>>
        tpu.wait_dma2 semaphore(%arg14 : memref<!tpu.dma_semaphore, #tpu.memory_space<semaphore_mem>>) src(%dma_wait3A_308 : memref<8x640xf32, #tpu.memory_space<hbm>>) dst(%dma_wait3A_305 : memref<8x640xf32, #tpu.memory_space<vmem>>)
      } else {
      }
      %get3A_45 = arith.index_cast %scan3A_31 : i32 to index
      %get3A_46 = tpu.vector_load %arg10[%get3A_45] {strides = array<i32>} : memref<64xi32, #tpu.memory_space<vmem>>, vector<16xi32>,
      %slice3A_47 = vector.extract_strided_slice %get3A_46 {offsets = [0], sizes = [1], strides = [1]} : vector<16xi32> to vector<1xi32>
      %squeeze3A_48 = vector.extract %slice3A_47[0] : i32 from vector<1xi32>
      %sub3A_49 = arith.subi %squeeze3A_48, %multiple_of3A : i32
      %slice3A_50 = vector.extract_strided_slice %get3A_46 {offsets = [1], sizes = [1], strides = [1]} : vector<16xi32> to vector<1xi32>
      %squeeze3A_51 = vector.extract %slice3A_50[0] : i32 from vector<1xi32>
      %slice3A_52 = vector.extract_strided_slice %get3A_46 {offsets = [0], sizes = [1], strides = [1]} : vector<16xi32> to vector<1xi32>
      %squeeze3A_53 = vector.extract %slice3A_52[0] : i32 from vector<1xi32>
      %sub3A_54 = arith.subi %squeeze3A_51, %squeeze3A_53 : i32
      %add3A_55 = arith.constant 15 : i32
      %add3A_56 = arith.addi %sub3A_54, %add3A_55 : i32
      %jit3A_57 = arith.constant 16 : i32
      %div3A_58 = arith.divsi %add3A_56, %jit3A_57 : i32
      %sign3A_59 = arith.constant 0 : i32
      %sign3A_60 = arith.cmpi sgt, %add3A_56, %sign3A_59 : i32
      %sign3A_61 = arith.extui %sign3A_60 : i1 to i32
      %sign3A_62 = arith.constant 0 : i32
      %sign3A_63 = arith.cmpi slt, %add3A_56, %sign3A_62 : i32
      %sign3A_64 = arith.extui %sign3A_63 : i1 to i32
      %sign3A_65 = arith.subi %sign3A_61, %sign3A_64 : i32
      %sign3A_66 = arith.constant 0 : i32
      %sign3A_67 = arith.cmpi sgt, %jit3A_57, %sign3A_66 : i32
      %sign3A_68 = arith.extui %sign3A_67 : i1 to i32
      %sign3A_69 = arith.constant 0 : i32
      %sign3A_70 = arith.cmpi slt, %jit3A_57, %sign3A_69 : i32
      %sign3A_71 = arith.extui %sign3A_70 : i1 to i32
      %sign3A_72 = arith.subi %sign3A_68, %sign3A_71 : i32
      %ne3A_73 = arith.cmpi ne, %sign3A_65, %sign3A_72 : i32
      %rem3A_74 = arith.remsi %add3A_56, %jit3A_57 : i32
      %ne3A_75 = arith.constant 0 : i32
      %ne3A_76 = arith.cmpi ne, %rem3A_74, %ne3A_75 : i32
      %and3A_77 = arith.andi %ne3A_73, %ne3A_76 : i1
      %sub3A_78 = arith.constant 1 : i32
      %sub3A_79 = arith.subi %div3A_58, %sub3A_78 : i32
      %select_n3A_80 = arith.select %and3A_77, %sub3A_79, %div3A_58 : i32
      %swap3A = arith.constant 0 : index
      %swap3A_81 = tpu.vector_load %arg13[%swap3A] {strides = array<i32>} : memref<96xi32, #tpu.memory_space<vmem>>, vector<16xi32>,
      tpu.vector_store %arg13[%swap3A], %broadcast_in_dim3A_3 {strides = array<i32>} : memref<96xi32, #tpu.memory_space<vmem>>, vector<16xi32>,
      %swap3A_82 = arith.constant 16 : index
      %swap3A_83 = tpu.vector_load %arg13[%swap3A_82] {strides = array<i32>} : memref<96xi32, #tpu.memory_space<vmem>>, vector<16xi32>,
      tpu.vector_store %arg13[%swap3A_82], %broadcast_in_dim3A_3 {strides = array<i32>} : memref<96xi32, #tpu.memory_space<vmem>>, vector<16xi32>,
      %swap3A_84 = arith.constant 32 : index
      %swap3A_85 = tpu.vector_load %arg13[%swap3A_84] {strides = array<i32>} : memref<96xi32, #tpu.memory_space<vmem>>, vector<16xi32>,
      tpu.vector_store %arg13[%swap3A_84], %broadcast_in_dim3A_3 {strides = array<i32>} : memref<96xi32, #tpu.memory_space<vmem>>, vector<16xi32>,
      %swap3A_86 = arith.constant 48 : index
      %swap3A_87 = tpu.vector_load %arg13[%swap3A_86] {strides = array<i32>} : memref<96xi32, #tpu.memory_space<vmem>>, vector<16xi32>,
      tpu.vector_store %arg13[%swap3A_86], %broadcast_in_dim3A_3 {strides = array<i32>} : memref<96xi32, #tpu.memory_space<vmem>>, vector<16xi32>,
      %swap3A_88 = arith.constant 64 : index
      %swap3A_89 = tpu.vector_load %arg13[%swap3A_88] {strides = array<i32>} : memref<96xi32, #tpu.memory_space<vmem>>, vector<16xi32>,
      tpu.vector_store %arg13[%swap3A_88], %broadcast_in_dim3A_3 {strides = array<i32>} : memref<96xi32, #tpu.memory_space<vmem>>, vector<16xi32>,
      %swap3A_90 = arith.constant 80 : index
      %swap3A_91 = tpu.vector_load %arg13[%swap3A_90] {strides = array<i32>} : memref<96xi32, #tpu.memory_space<vmem>>, vector<16xi32>,
      tpu.vector_store %arg13[%swap3A_90], %broadcast_in_dim3A_3 {strides = array<i32>} : memref<96xi32, #tpu.memory_space<vmem>>, vector<16xi32>,
      %while3A = arith.constant 0 : i32
      %while3A_92 = arith.constant 0 : i32
      %while3A_93 = arith.subi %select_n3A_80, %while3A_92 : i32
      %while3A_94 = arith.addi %while3A_92, %while3A_93 : i32
      %while3A_95 = arith.constant 1 : i32
      %while3A_96 = arith.divsi %while3A_93, %while3A_95 : i32
      %while3A_97 = arith.muli %while3A_96, %while3A_95 : i32
      %while3A_98 = arith.addi %while3A_92, %while3A_97 : i32
      %while3A_99 = arith.constant 1 : i32
      scf.for %while3A_119 = %while3A_92 to %while3A_98 step %while3A_99  : i32 {
        %mul3A_120 = arith.constant 16 : i32
        %mul3A_121 = arith.muli %while3A_119, %mul3A_120 : i32
        %add3A_122 = arith.addi %sub3A_49, %mul3A_121 : i32
        %get3A_123 = arith.index_cast %add3A_122 : i32 to index
        %get3A_124 = tpu.vector_load %arg9[%get3A_123] {strides = array<i32>} : memref<1056xi32, #tpu.memory_space<vmem>>, vector<16xi32>,
        %mul3A_125 = arith.constant 16 : i32
        %mul3A_126 = arith.muli %while3A_119, %mul3A_125 : i32
        %swap3A_127 = arith.index_cast %mul3A_126 : i32 to index
        %swap3A_128 = tpu.vector_load %arg13[%swap3A_127] {strides = array<i32>} : memref<96xi32, #tpu.memory_space<vmem>>, vector<16xi32>,
        tpu.vector_store %arg13[%swap3A_127], %get3A_124 {strides = array<i32>} : memref<96xi32, #tpu.memory_space<vmem>>, vector<16xi32>,
      }
      %while3A_100 = arith.constant 1 : i32
      scf.for %while3A_119 = %while3A_98 to %while3A_94 step %while3A_100  : i32 {
        %mul3A_120 = arith.constant 16 : i32
        %mul3A_121 = arith.muli %while3A_119, %mul3A_120 : i32
        %add3A_122 = arith.addi %sub3A_49, %mul3A_121 : i32
        %get3A_123 = arith.index_cast %add3A_122 : i32 to index
        %get3A_124 = tpu.vector_load %arg9[%get3A_123] {strides = array<i32>} : memref<1056xi32, #tpu.memory_space<vmem>>, vector<16xi32>,
        %mul3A_125 = arith.constant 16 : i32
        %mul3A_126 = arith.muli %while3A_119, %mul3A_125 : i32
        %swap3A_127 = arith.index_cast %mul3A_126 : i32 to index
        %swap3A_128 = tpu.vector_load %arg13[%swap3A_127] {strides = array<i32>} : memref<96xi32, #tpu.memory_space<vmem>>, vector<16xi32>,
        tpu.vector_store %arg13[%swap3A_127], %get3A_124 {strides = array<i32>} : memref<96xi32, #tpu.memory_space<vmem>>, vector<16xi32>,
      }
      %min3A = arith.constant 80 : i32
      %min3A_101 = arith.minsi %sub3A_54, %min3A : i32
      %swap3A_102 = arith.index_cast %min3A_101 : i32 to index
      %swap3A_103 = tpu.vector_load %arg13[%swap3A_102] {strides = array<i32>} : memref<96xi32, #tpu.memory_space<vmem>>, vector<16xi32>,
      tpu.vector_store %arg13[%swap3A_102], %broadcast_in_dim3A_3 {strides = array<i32>} : memref<96xi32, #tpu.memory_space<vmem>>, vector<16xi32>,
      %while3A_104 = arith.constant 0 : i32
      %while3A_105 = arith.constant 0 : i32
      %while3A_106 = arith.subi %select_n3A_80, %while3A_105 : i32
      %while3A_107 = arith.addi %while3A_105, %while3A_106 : i32
      %while3A_108 = arith.constant 1 : i32
      %while3A_109 = arith.divsi %while3A_106, %while3A_108 : i32
      %while3A_110 = arith.muli %while3A_109, %while3A_108 : i32
      %while3A_111 = arith.addi %while3A_105, %while3A_110 : i32
      %while3A_112 = arith.constant 1 : i32
      scf.for %while3A_119 = %while3A_105 to %while3A_111 step %while3A_112  : i32 {
        %mul3A_120 = arith.constant 16 : i32
        %mul3A_121 = arith.muli %while3A_119, %mul3A_120 : i32
        %add3A_122 = arith.addi %sub3A_49, %mul3A_121 : i32
        %get3A_123 = arith.index_cast %add3A_122 : i32 to index
        %get3A_124 = tpu.vector_load %arg8[%get3A_123] {strides = array<i32>} : memref<1056xi32, #tpu.memory_space<vmem>>, vector<16xi32>,
        %sub3A_125 = vector.broadcast %multiple_of3A_36 : i32 to vector<16xi32>
        %sub3A_126 = arith.subi %get3A_124, %sub3A_125 : vector<16xi32>
        %and3A_127 = arith.constant 1023 : i32
        %and3A_128 = vector.broadcast %and3A_127 : i32 to vector<16xi32>
        %and3A_129 = arith.andi %sub3A_126, %and3A_128 : vector<16xi32>
        %add3A_130 = vector.broadcast %mul3A_121 : i32 to vector<16xi32>
        %add3A_131 = arith.addi %add3A_130, %iota3A : vector<16xi32>
        %broadcast_in_dim3A_132 = arith.constant 0 : i32
        %broadcast_in_dim3A_133 = vector.broadcast %broadcast_in_dim3A_132 : i32 to vector<16xi32>
        %gather3A = tpu.vector_load_idx %arg11[%broadcast_in_dim3A_133, %and3A_129] : memref<64x1024xf32, #tpu.memory_space<vmem>>[vector<16xi32>, vector<16xi32>], vector<16xf32>,
        tpu.vector_store_idx %arg12[%add3A_131, %broadcast_in_dim3A_133], %gather3A : memref<96x128xf32, #tpu.memory_space<vmem>>[vector<16xi32>, vector<16xi32>], vector<16xf32>,
        %broadcast_in_dim3A_134 = arith.constant 1 : i32
        %broadcast_in_dim3A_135 = vector.broadcast %broadcast_in_dim3A_134 : i32 to vector<16xi32>
        %gather3A_136 = tpu.vector_load_idx %arg11[%broadcast_in_dim3A_135, %and3A_129] : memref<64x1024xf32, #tpu.memory_space<vmem>>[vector<16xi32>, vector<16xi32>], vector<16xf32>,
        tpu.vector_store_idx %arg12[%add3A_131, %broadcast_in_dim3A_135], %gather3A_136 : memref<96x128xf32, #tpu.memory_space<vmem>>[vector<16xi32>, vector<16xi32>], vector<16xf32>,
        %broadcast_in_dim3A_137 = arith.constant 2 : i32
        %broadcast_in_dim3A_138 = vector.broadcast %broadcast_in_dim3A_137 : i32 to vector<16xi32>
        %gather3A_139 = tpu.vector_load_idx %arg11[%broadcast_in_dim3A_138, %and3A_129] : memref<64x1024xf32, #tpu.memory_space<vmem>>[vector<16xi32>, vector<16xi32>], vector<16xf32>,
        tpu.vector_store_idx %arg12[%add3A_131, %broadcast_in_dim3A_138], %gather3A_139 : memref<96x128xf32, #tpu.memory_space<vmem>>[vector<16xi32>, vector<16xi32>], vector<16xf32>,
        %broadcast_in_dim3A_140 = arith.constant 3 : i32
        %broadcast_in_dim3A_141 = vector.broadcast %broadcast_in_dim3A_140 : i32 to vector<16xi32>
        %gather3A_142 = tpu.vector_load_idx %arg11[%broadcast_in_dim3A_141, %and3A_129] : memref<64x1024xf32, #tpu.memory_space<vmem>>[vector<16xi32>, vector<16xi32>], vector<16xf32>,
        tpu.vector_store_idx %arg12[%add3A_131, %broadcast_in_dim3A_141], %gather3A_142 : memref<96x128xf32, #tpu.memory_space<vmem>>[vector<16xi32>, vector<16xi32>], vector<16xf32>,
        %broadcast_in_dim3A_143 = arith.constant 4 : i32
        %broadcast_in_dim3A_144 = vector.broadcast %broadcast_in_dim3A_143 : i32 to vector<16xi32>
        %gather3A_145 = tpu.vector_load_idx %arg11[%broadcast_in_dim3A_144, %and3A_129] : memref<64x1024xf32, #tpu.memory_space<vmem>>[vector<16xi32>, vector<16xi32>], vector<16xf32>,
        tpu.vector_store_idx %arg12[%add3A_131, %broadcast_in_dim3A_144], %gather3A_145 : memref<96x128xf32, #tpu.memory_space<vmem>>[vector<16xi32>, vector<16xi32>], vector<16xf32>,
        %broadcast_in_dim3A_146 = arith.constant 5 : i32
        %broadcast_in_dim3A_147 = vector.broadcast %broadcast_in_dim3A_146 : i32 to vector<16xi32>
        %gather3A_148 = tpu.vector_load_idx %arg11[%broadcast_in_dim3A_147, %and3A_129] : memref<64x1024xf32, #tpu.memory_space<vmem>>[vector<16xi32>, vector<16xi32>], vector<16xf32>,
        tpu.vector_store_idx %arg12[%add3A_131, %broadcast_in_dim3A_147], %gather3A_148 : memref<96x128xf32, #tpu.memory_space<vmem>>[vector<16xi32>, vector<16xi32>], vector<16xf32>,
        %broadcast_in_dim3A_149 = arith.constant 6 : i32
        %broadcast_in_dim3A_150 = vector.broadcast %broadcast_in_dim3A_149 : i32 to vector<16xi32>
        %gather3A_151 = tpu.vector_load_idx %arg11[%broadcast_in_dim3A_150, %and3A_129] : memref<64x1024xf32, #tpu.memory_space<vmem>>[vector<16xi32>, vector<16xi32>], vector<16xf32>,
        tpu.vector_store_idx %arg12[%add3A_131, %broadcast_in_dim3A_150], %gather3A_151 : memref<96x128xf32, #tpu.memory_space<vmem>>[vector<16xi32>, vector<16xi32>], vector<16xf32>,
        %broadcast_in_dim3A_152 = arith.constant 7 : i32
        %broadcast_in_dim3A_153 = vector.broadcast %broadcast_in_dim3A_152 : i32 to vector<16xi32>
        %gather3A_154 = tpu.vector_load_idx %arg11[%broadcast_in_dim3A_153, %and3A_129] : memref<64x1024xf32, #tpu.memory_space<vmem>>[vector<16xi32>, vector<16xi32>], vector<16xf32>,
        tpu.vector_store_idx %arg12[%add3A_131, %broadcast_in_dim3A_153], %gather3A_154 : memref<96x128xf32, #tpu.memory_space<vmem>>[vector<16xi32>, vector<16xi32>], vector<16xf32>,
        %broadcast_in_dim3A_155 = arith.constant 8 : i32
        %broadcast_in_dim3A_156 = vector.broadcast %broadcast_in_dim3A_155 : i32 to vector<16xi32>
        %gather3A_157 = tpu.vector_load_idx %arg11[%broadcast_in_dim3A_156, %and3A_129] : memref<64x1024xf32, #tpu.memory_space<vmem>>[vector<16xi32>, vector<16xi32>], vector<16xf32>,
        tpu.vector_store_idx %arg12[%add3A_131, %broadcast_in_dim3A_156], %gather3A_157 : memref<96x128xf32, #tpu.memory_space<vmem>>[vector<16xi32>, vector<16xi32>], vector<16xf32>,
        %broadcast_in_dim3A_158 = arith.constant 9 : i32
        %broadcast_in_dim3A_159 = vector.broadcast %broadcast_in_dim3A_158 : i32 to vector<16xi32>
        %gather3A_160 = tpu.vector_load_idx %arg11[%broadcast_in_dim3A_159, %and3A_129] : memref<64x1024xf32, #tpu.memory_space<vmem>>[vector<16xi32>, vector<16xi32>], vector<16xf32>,
        tpu.vector_store_idx %arg12[%add3A_131, %broadcast_in_dim3A_159], %gather3A_160 : memref<96x128xf32, #tpu.memory_space<vmem>>[vector<16xi32>, vector<16xi32>], vector<16xf32>,
        %broadcast_in_dim3A_161 = arith.constant 10 : i32
        %broadcast_in_dim3A_162 = vector.broadcast %broadcast_in_dim3A_161 : i32 to vector<16xi32>
        %gather3A_163 = tpu.vector_load_idx %arg11[%broadcast_in_dim3A_162, %and3A_129] : memref<64x1024xf32, #tpu.memory_space<vmem>>[vector<16xi32>, vector<16xi32>], vector<16xf32>,
        tpu.vector_store_idx %arg12[%add3A_131, %broadcast_in_dim3A_162], %gather3A_163 : memref<96x128xf32, #tpu.memory_space<vmem>>[vector<16xi32>, vector<16xi32>], vector<16xf32>,
        %broadcast_in_dim3A_164 = arith.constant 11 : i32
        %broadcast_in_dim3A_165 = vector.broadcast %broadcast_in_dim3A_164 : i32 to vector<16xi32>
        %gather3A_166 = tpu.vector_load_idx %arg11[%broadcast_in_dim3A_165, %and3A_129] : memref<64x1024xf32, #tpu.memory_space<vmem>>[vector<16xi32>, vector<16xi32>], vector<16xf32>,
        tpu.vector_store_idx %arg12[%add3A_131, %broadcast_in_dim3A_165], %gather3A_166 : memref<96x128xf32, #tpu.memory_space<vmem>>[vector<16xi32>, vector<16xi32>], vector<16xf32>,
        %broadcast_in_dim3A_167 = arith.constant 12 : i32
        %broadcast_in_dim3A_168 = vector.broadcast %broadcast_in_dim3A_167 : i32 to vector<16xi32>
        %gather3A_169 = tpu.vector_load_idx %arg11[%broadcast_in_dim3A_168, %and3A_129] : memref<64x1024xf32, #tpu.memory_space<vmem>>[vector<16xi32>, vector<16xi32>], vector<16xf32>,
        tpu.vector_store_idx %arg12[%add3A_131, %broadcast_in_dim3A_168], %gather3A_169 : memref<96x128xf32, #tpu.memory_space<vmem>>[vector<16xi32>, vector<16xi32>], vector<16xf32>,
        %broadcast_in_dim3A_170 = arith.constant 13 : i32
        %broadcast_in_dim3A_171 = vector.broadcast %broadcast_in_dim3A_170 : i32 to vector<16xi32>
        %gather3A_172 = tpu.vector_load_idx %arg11[%broadcast_in_dim3A_171, %and3A_129] : memref<64x1024xf32, #tpu.memory_space<vmem>>[vector<16xi32>, vector<16xi32>], vector<16xf32>,
        tpu.vector_store_idx %arg12[%add3A_131, %broadcast_in_dim3A_171], %gather3A_172 : memref<96x128xf32, #tpu.memory_space<vmem>>[vector<16xi32>, vector<16xi32>], vector<16xf32>,
        %broadcast_in_dim3A_173 = arith.constant 14 : i32
        %broadcast_in_dim3A_174 = vector.broadcast %broadcast_in_dim3A_173 : i32 to vector<16xi32>
        %gather3A_175 = tpu.vector_load_idx %arg11[%broadcast_in_dim3A_174, %and3A_129] : memref<64x1024xf32, #tpu.memory_space<vmem>>[vector<16xi32>, vector<16xi32>], vector<16xf32>,
        tpu.vector_store_idx %arg12[%add3A_131, %broadcast_in_dim3A_174], %gather3A_175 : memref<96x128xf32, #tpu.memory_space<vmem>>[vector<16xi32>, vector<16xi32>], vector<16xf32>,
        %broadcast_in_dim3A_176 = arith.constant 15 : i32
        %broadcast_in_dim3A_177 = vector.broadcast %broadcast_in_dim3A_176 : i32 to vector<16xi32>
        %gather3A_178 = tpu.vector_load_idx %arg11[%broadcast_in_dim3A_177, %and3A_129] : memref<64x1024xf32, #tpu.memory_space<vmem>>[vector<16xi32>, vector<16xi32>], vector<16xf32>,
        tpu.vector_store_idx %arg12[%add3A_131, %broadcast_in_dim3A_177], %gather3A_178 : memref<96x128xf32, #tpu.memory_space<vmem>>[vector<16xi32>, vector<16xi32>], vector<16xf32>,
        %broadcast_in_dim3A_179 = arith.constant 16 : i32
        %broadcast_in_dim3A_180 = vector.broadcast %broadcast_in_dim3A_179 : i32 to vector<16xi32>
        %gather3A_181 = tpu.vector_load_idx %arg11[%broadcast_in_dim3A_180, %and3A_129] : memref<64x1024xf32, #tpu.memory_space<vmem>>[vector<16xi32>, vector<16xi32>], vector<16xf32>,
        tpu.vector_store_idx %arg12[%add3A_131, %broadcast_in_dim3A_180], %gather3A_181 : memref<96x128xf32, #tpu.memory_space<vmem>>[vector<16xi32>, vector<16xi32>], vector<16xf32>,
        %broadcast_in_dim3A_182 = arith.constant 17 : i32
        %broadcast_in_dim3A_183 = vector.broadcast %broadcast_in_dim3A_182 : i32 to vector<16xi32>
        %gather3A_184 = tpu.vector_load_idx %arg11[%broadcast_in_dim3A_183, %and3A_129] : memref<64x1024xf32, #tpu.memory_space<vmem>>[vector<16xi32>, vector<16xi32>], vector<16xf32>,
        tpu.vector_store_idx %arg12[%add3A_131, %broadcast_in_dim3A_183], %gather3A_184 : memref<96x128xf32, #tpu.memory_space<vmem>>[vector<16xi32>, vector<16xi32>], vector<16xf32>,
        %broadcast_in_dim3A_185 = arith.constant 18 : i32
        %broadcast_in_dim3A_186 = vector.broadcast %broadcast_in_dim3A_185 : i32 to vector<16xi32>
        %gather3A_187 = tpu.vector_load_idx %arg11[%broadcast_in_dim3A_186, %and3A_129] : memref<64x1024xf32, #tpu.memory_space<vmem>>[vector<16xi32>, vector<16xi32>], vector<16xf32>,
        tpu.vector_store_idx %arg12[%add3A_131, %broadcast_in_dim3A_186], %gather3A_187 : memref<96x128xf32, #tpu.memory_space<vmem>>[vector<16xi32>, vector<16xi32>], vector<16xf32>,
        %broadcast_in_dim3A_188 = arith.constant 19 : i32
        %broadcast_in_dim3A_189 = vector.broadcast %broadcast_in_dim3A_188 : i32 to vector<16xi32>
        %gather3A_190 = tpu.vector_load_idx %arg11[%broadcast_in_dim3A_189, %and3A_129] : memref<64x1024xf32, #tpu.memory_space<vmem>>[vector<16xi32>, vector<16xi32>], vector<16xf32>,
        tpu.vector_store_idx %arg12[%add3A_131, %broadcast_in_dim3A_189], %gather3A_190 : memref<96x128xf32, #tpu.memory_space<vmem>>[vector<16xi32>, vector<16xi32>], vector<16xf32>,
        %broadcast_in_dim3A_191 = arith.constant 20 : i32
        %broadcast_in_dim3A_192 = vector.broadcast %broadcast_in_dim3A_191 : i32 to vector<16xi32>
        %gather3A_193 = tpu.vector_load_idx %arg11[%broadcast_in_dim3A_192, %and3A_129] : memref<64x1024xf32, #tpu.memory_space<vmem>>[vector<16xi32>, vector<16xi32>], vector<16xf32>,
        tpu.vector_store_idx %arg12[%add3A_131, %broadcast_in_dim3A_192], %gather3A_193 : memref<96x128xf32, #tpu.memory_space<vmem>>[vector<16xi32>, vector<16xi32>], vector<16xf32>,
        %broadcast_in_dim3A_194 = arith.constant 21 : i32
        %broadcast_in_dim3A_195 = vector.broadcast %broadcast_in_dim3A_194 : i32 to vector<16xi32>
        %gather3A_196 = tpu.vector_load_idx %arg11[%broadcast_in_dim3A_195, %and3A_129] : memref<64x1024xf32, #tpu.memory_space<vmem>>[vector<16xi32>, vector<16xi32>], vector<16xf32>,
        tpu.vector_store_idx %arg12[%add3A_131, %broadcast_in_dim3A_195], %gather3A_196 : memref<96x128xf32, #tpu.memory_space<vmem>>[vector<16xi32>, vector<16xi32>], vector<16xf32>,
        %broadcast_in_dim3A_197 = arith.constant 22 : i32
        %broadcast_in_dim3A_198 = vector.broadcast %broadcast_in_dim3A_197 : i32 to vector<16xi32>
        %gather3A_199 = tpu.vector_load_idx %arg11[%broadcast_in_dim3A_198, %and3A_129] : memref<64x1024xf32, #tpu.memory_space<vmem>>[vector<16xi32>, vector<16xi32>], vector<16xf32>,
        tpu.vector_store_idx %arg12[%add3A_131, %broadcast_in_dim3A_198], %gather3A_199 : memref<96x128xf32, #tpu.memory_space<vmem>>[vector<16xi32>, vector<16xi32>], vector<16xf32>,
        %broadcast_in_dim3A_200 = arith.constant 23 : i32
        %broadcast_in_dim3A_201 = vector.broadcast %broadcast_in_dim3A_200 : i32 to vector<16xi32>
        %gather3A_202 = tpu.vector_load_idx %arg11[%broadcast_in_dim3A_201, %and3A_129] : memref<64x1024xf32, #tpu.memory_space<vmem>>[vector<16xi32>, vector<16xi32>], vector<16xf32>,
        tpu.vector_store_idx %arg12[%add3A_131, %broadcast_in_dim3A_201], %gather3A_202 : memref<96x128xf32, #tpu.memory_space<vmem>>[vector<16xi32>, vector<16xi32>], vector<16xf32>,
        %broadcast_in_dim3A_203 = arith.constant 24 : i32
        %broadcast_in_dim3A_204 = vector.broadcast %broadcast_in_dim3A_203 : i32 to vector<16xi32>
        %gather3A_205 = tpu.vector_load_idx %arg11[%broadcast_in_dim3A_204, %and3A_129] : memref<64x1024xf32, #tpu.memory_space<vmem>>[vector<16xi32>, vector<16xi32>], vector<16xf32>,
        tpu.vector_store_idx %arg12[%add3A_131, %broadcast_in_dim3A_204], %gather3A_205 : memref<96x128xf32, #tpu.memory_space<vmem>>[vector<16xi32>, vector<16xi32>], vector<16xf32>,
        %broadcast_in_dim3A_206 = arith.constant 25 : i32
        %broadcast_in_dim3A_207 = vector.broadcast %broadcast_in_dim3A_206 : i32 to vector<16xi32>
        %gather3A_208 = tpu.vector_load_idx %arg11[%broadcast_in_dim3A_207, %and3A_129] : memref<64x1024xf32, #tpu.memory_space<vmem>>[vector<16xi32>, vector<16xi32>], vector<16xf32>,
        tpu.vector_store_idx %arg12[%add3A_131, %broadcast_in_dim3A_207], %gather3A_208 : memref<96x128xf32, #tpu.memory_space<vmem>>[vector<16xi32>, vector<16xi32>], vector<16xf32>,
        %broadcast_in_dim3A_209 = arith.constant 26 : i32
        %broadcast_in_dim3A_210 = vector.broadcast %broadcast_in_dim3A_209 : i32 to vector<16xi32>
        %gather3A_211 = tpu.vector_load_idx %arg11[%broadcast_in_dim3A_210, %and3A_129] : memref<64x1024xf32, #tpu.memory_space<vmem>>[vector<16xi32>, vector<16xi32>], vector<16xf32>,
        tpu.vector_store_idx %arg12[%add3A_131, %broadcast_in_dim3A_210], %gather3A_211 : memref<96x128xf32, #tpu.memory_space<vmem>>[vector<16xi32>, vector<16xi32>], vector<16xf32>,
        %broadcast_in_dim3A_212 = arith.constant 27 : i32
        %broadcast_in_dim3A_213 = vector.broadcast %broadcast_in_dim3A_212 : i32 to vector<16xi32>
        %gather3A_214 = tpu.vector_load_idx %arg11[%broadcast_in_dim3A_213, %and3A_129] : memref<64x1024xf32, #tpu.memory_space<vmem>>[vector<16xi32>, vector<16xi32>], vector<16xf32>,
        tpu.vector_store_idx %arg12[%add3A_131, %broadcast_in_dim3A_213], %gather3A_214 : memref<96x128xf32, #tpu.memory_space<vmem>>[vector<16xi32>, vector<16xi32>], vector<16xf32>,
        %broadcast_in_dim3A_215 = arith.constant 28 : i32
        %broadcast_in_dim3A_216 = vector.broadcast %broadcast_in_dim3A_215 : i32 to vector<16xi32>
        %gather3A_217 = tpu.vector_load_idx %arg11[%broadcast_in_dim3A_216, %and3A_129] : memref<64x1024xf32, #tpu.memory_space<vmem>>[vector<16xi32>, vector<16xi32>], vector<16xf32>,
        tpu.vector_store_idx %arg12[%add3A_131, %broadcast_in_dim3A_216], %gather3A_217 : memref<96x128xf32, #tpu.memory_space<vmem>>[vector<16xi32>, vector<16xi32>], vector<16xf32>,
        %broadcast_in_dim3A_218 = arith.constant 29 : i32
        %broadcast_in_dim3A_219 = vector.broadcast %broadcast_in_dim3A_218 : i32 to vector<16xi32>
        %gather3A_220 = tpu.vector_load_idx %arg11[%broadcast_in_dim3A_219, %and3A_129] : memref<64x1024xf32, #tpu.memory_space<vmem>>[vector<16xi32>, vector<16xi32>], vector<16xf32>,
        tpu.vector_store_idx %arg12[%add3A_131, %broadcast_in_dim3A_219], %gather3A_220 : memref<96x128xf32, #tpu.memory_space<vmem>>[vector<16xi32>, vector<16xi32>], vector<16xf32>,
        %broadcast_in_dim3A_221 = arith.constant 30 : i32
        %broadcast_in_dim3A_222 = vector.broadcast %broadcast_in_dim3A_221 : i32 to vector<16xi32>
        %gather3A_223 = tpu.vector_load_idx %arg11[%broadcast_in_dim3A_222, %and3A_129] : memref<64x1024xf32, #tpu.memory_space<vmem>>[vector<16xi32>, vector<16xi32>], vector<16xf32>,
        tpu.vector_store_idx %arg12[%add3A_131, %broadcast_in_dim3A_222], %gather3A_223 : memref<96x128xf32, #tpu.memory_space<vmem>>[vector<16xi32>, vector<16xi32>], vector<16xf32>,
        %broadcast_in_dim3A_224 = arith.constant 31 : i32
        %broadcast_in_dim3A_225 = vector.broadcast %broadcast_in_dim3A_224 : i32 to vector<16xi32>
        %gather3A_226 = tpu.vector_load_idx %arg11[%broadcast_in_dim3A_225, %and3A_129] : memref<64x1024xf32, #tpu.memory_space<vmem>>[vector<16xi32>, vector<16xi32>], vector<16xf32>,
        tpu.vector_store_idx %arg12[%add3A_131, %broadcast_in_dim3A_225], %gather3A_226 : memref<96x128xf32, #tpu.memory_space<vmem>>[vector<16xi32>, vector<16xi32>], vector<16xf32>,
        %broadcast_in_dim3A_227 = arith.constant 32 : i32
        %broadcast_in_dim3A_228 = vector.broadcast %broadcast_in_dim3A_227 : i32 to vector<16xi32>
        %gather3A_229 = tpu.vector_load_idx %arg11[%broadcast_in_dim3A_228, %and3A_129] : memref<64x1024xf32, #tpu.memory_space<vmem>>[vector<16xi32>, vector<16xi32>], vector<16xf32>,
        tpu.vector_store_idx %arg12[%add3A_131, %broadcast_in_dim3A_228], %gather3A_229 : memref<96x128xf32, #tpu.memory_space<vmem>>[vector<16xi32>, vector<16xi32>], vector<16xf32>,
        %broadcast_in_dim3A_230 = arith.constant 33 : i32
        %broadcast_in_dim3A_231 = vector.broadcast %broadcast_in_dim3A_230 : i32 to vector<16xi32>
        %gather3A_232 = tpu.vector_load_idx %arg11[%broadcast_in_dim3A_231, %and3A_129] : memref<64x1024xf32, #tpu.memory_space<vmem>>[vector<16xi32>, vector<16xi32>], vector<16xf32>,
        tpu.vector_store_idx %arg12[%add3A_131, %broadcast_in_dim3A_231], %gather3A_232 : memref<96x128xf32, #tpu.memory_space<vmem>>[vector<16xi32>, vector<16xi32>], vector<16xf32>,
        %broadcast_in_dim3A_233 = arith.constant 34 : i32
        %broadcast_in_dim3A_234 = vector.broadcast %broadcast_in_dim3A_233 : i32 to vector<16xi32>
        %gather3A_235 = tpu.vector_load_idx %arg11[%broadcast_in_dim3A_234, %and3A_129] : memref<64x1024xf32, #tpu.memory_space<vmem>>[vector<16xi32>, vector<16xi32>], vector<16xf32>,
        tpu.vector_store_idx %arg12[%add3A_131, %broadcast_in_dim3A_234], %gather3A_235 : memref<96x128xf32, #tpu.memory_space<vmem>>[vector<16xi32>, vector<16xi32>], vector<16xf32>,
        %broadcast_in_dim3A_236 = arith.constant 35 : i32
        %broadcast_in_dim3A_237 = vector.broadcast %broadcast_in_dim3A_236 : i32 to vector<16xi32>
        %gather3A_238 = tpu.vector_load_idx %arg11[%broadcast_in_dim3A_237, %and3A_129] : memref<64x1024xf32, #tpu.memory_space<vmem>>[vector<16xi32>, vector<16xi32>], vector<16xf32>,
        tpu.vector_store_idx %arg12[%add3A_131, %broadcast_in_dim3A_237], %gather3A_238 : memref<96x128xf32, #tpu.memory_space<vmem>>[vector<16xi32>, vector<16xi32>], vector<16xf32>,
        %broadcast_in_dim3A_239 = arith.constant 36 : i32
        %broadcast_in_dim3A_240 = vector.broadcast %broadcast_in_dim3A_239 : i32 to vector<16xi32>
        %gather3A_241 = tpu.vector_load_idx %arg11[%broadcast_in_dim3A_240, %and3A_129] : memref<64x1024xf32, #tpu.memory_space<vmem>>[vector<16xi32>, vector<16xi32>], vector<16xf32>,
        tpu.vector_store_idx %arg12[%add3A_131, %broadcast_in_dim3A_240], %gather3A_241 : memref<96x128xf32, #tpu.memory_space<vmem>>[vector<16xi32>, vector<16xi32>], vector<16xf32>,
        %broadcast_in_dim3A_242 = arith.constant 37 : i32
        %broadcast_in_dim3A_243 = vector.broadcast %broadcast_in_dim3A_242 : i32 to vector<16xi32>
        %gather3A_244 = tpu.vector_load_idx %arg11[%broadcast_in_dim3A_243, %and3A_129] : memref<64x1024xf32, #tpu.memory_space<vmem>>[vector<16xi32>, vector<16xi32>], vector<16xf32>,
        tpu.vector_store_idx %arg12[%add3A_131, %broadcast_in_dim3A_243], %gather3A_244 : memref<96x128xf32, #tpu.memory_space<vmem>>[vector<16xi32>, vector<16xi32>], vector<16xf32>,
        %broadcast_in_dim3A_245 = arith.constant 38 : i32
        %broadcast_in_dim3A_246 = vector.broadcast %broadcast_in_dim3A_245 : i32 to vector<16xi32>
        %gather3A_247 = tpu.vector_load_idx %arg11[%broadcast_in_dim3A_246, %and3A_129] : memref<64x1024xf32, #tpu.memory_space<vmem>>[vector<16xi32>, vector<16xi32>], vector<16xf32>,
        tpu.vector_store_idx %arg12[%add3A_131, %broadcast_in_dim3A_246], %gather3A_247 : memref<96x128xf32, #tpu.memory_space<vmem>>[vector<16xi32>, vector<16xi32>], vector<16xf32>,
        %broadcast_in_dim3A_248 = arith.constant 39 : i32
        %broadcast_in_dim3A_249 = vector.broadcast %broadcast_in_dim3A_248 : i32 to vector<16xi32>
        %gather3A_250 = tpu.vector_load_idx %arg11[%broadcast_in_dim3A_249, %and3A_129] : memref<64x1024xf32, #tpu.memory_space<vmem>>[vector<16xi32>, vector<16xi32>], vector<16xf32>,
        tpu.vector_store_idx %arg12[%add3A_131, %broadcast_in_dim3A_249], %gather3A_250 : memref<96x128xf32, #tpu.memory_space<vmem>>[vector<16xi32>, vector<16xi32>], vector<16xf32>,
        %broadcast_in_dim3A_251 = arith.constant 40 : i32
        %broadcast_in_dim3A_252 = vector.broadcast %broadcast_in_dim3A_251 : i32 to vector<16xi32>
        %gather3A_253 = tpu.vector_load_idx %arg11[%broadcast_in_dim3A_252, %and3A_129] : memref<64x1024xf32, #tpu.memory_space<vmem>>[vector<16xi32>, vector<16xi32>], vector<16xf32>,
        tpu.vector_store_idx %arg12[%add3A_131, %broadcast_in_dim3A_252], %gather3A_253 : memref<96x128xf32, #tpu.memory_space<vmem>>[vector<16xi32>, vector<16xi32>], vector<16xf32>,
        %broadcast_in_dim3A_254 = arith.constant 41 : i32
        %broadcast_in_dim3A_255 = vector.broadcast %broadcast_in_dim3A_254 : i32 to vector<16xi32>
        %gather3A_256 = tpu.vector_load_idx %arg11[%broadcast_in_dim3A_255, %and3A_129] : memref<64x1024xf32, #tpu.memory_space<vmem>>[vector<16xi32>, vector<16xi32>], vector<16xf32>,
        tpu.vector_store_idx %arg12[%add3A_131, %broadcast_in_dim3A_255], %gather3A_256 : memref<96x128xf32, #tpu.memory_space<vmem>>[vector<16xi32>, vector<16xi32>], vector<16xf32>,
        %broadcast_in_dim3A_257 = arith.constant 42 : i32
        %broadcast_in_dim3A_258 = vector.broadcast %broadcast_in_dim3A_257 : i32 to vector<16xi32>
        %gather3A_259 = tpu.vector_load_idx %arg11[%broadcast_in_dim3A_258, %and3A_129] : memref<64x1024xf32, #tpu.memory_space<vmem>>[vector<16xi32>, vector<16xi32>], vector<16xf32>,
        tpu.vector_store_idx %arg12[%add3A_131, %broadcast_in_dim3A_258], %gather3A_259 : memref<96x128xf32, #tpu.memory_space<vmem>>[vector<16xi32>, vector<16xi32>], vector<16xf32>,
        %broadcast_in_dim3A_260 = arith.constant 43 : i32
        %broadcast_in_dim3A_261 = vector.broadcast %broadcast_in_dim3A_260 : i32 to vector<16xi32>
        %gather3A_262 = tpu.vector_load_idx %arg11[%broadcast_in_dim3A_261, %and3A_129] : memref<64x1024xf32, #tpu.memory_space<vmem>>[vector<16xi32>, vector<16xi32>], vector<16xf32>,
        tpu.vector_store_idx %arg12[%add3A_131, %broadcast_in_dim3A_261], %gather3A_262 : memref<96x128xf32, #tpu.memory_space<vmem>>[vector<16xi32>, vector<16xi32>], vector<16xf32>,
        %broadcast_in_dim3A_263 = arith.constant 44 : i32
        %broadcast_in_dim3A_264 = vector.broadcast %broadcast_in_dim3A_263 : i32 to vector<16xi32>
        %gather3A_265 = tpu.vector_load_idx %arg11[%broadcast_in_dim3A_264, %and3A_129] : memref<64x1024xf32, #tpu.memory_space<vmem>>[vector<16xi32>, vector<16xi32>], vector<16xf32>,
        tpu.vector_store_idx %arg12[%add3A_131, %broadcast_in_dim3A_264], %gather3A_265 : memref<96x128xf32, #tpu.memory_space<vmem>>[vector<16xi32>, vector<16xi32>], vector<16xf32>,
        %broadcast_in_dim3A_266 = arith.constant 45 : i32
        %broadcast_in_dim3A_267 = vector.broadcast %broadcast_in_dim3A_266 : i32 to vector<16xi32>
        %gather3A_268 = tpu.vector_load_idx %arg11[%broadcast_in_dim3A_267, %and3A_129] : memref<64x1024xf32, #tpu.memory_space<vmem>>[vector<16xi32>, vector<16xi32>], vector<16xf32>,
        tpu.vector_store_idx %arg12[%add3A_131, %broadcast_in_dim3A_267], %gather3A_268 : memref<96x128xf32, #tpu.memory_space<vmem>>[vector<16xi32>, vector<16xi32>], vector<16xf32>,
        %broadcast_in_dim3A_269 = arith.constant 46 : i32
        %broadcast_in_dim3A_270 = vector.broadcast %broadcast_in_dim3A_269 : i32 to vector<16xi32>
        %gather3A_271 = tpu.vector_load_idx %arg11[%broadcast_in_dim3A_270, %and3A_129] : memref<64x1024xf32, #tpu.memory_space<vmem>>[vector<16xi32>, vector<16xi32>], vector<16xf32>,
        tpu.vector_store_idx %arg12[%add3A_131, %broadcast_in_dim3A_270], %gather3A_271 : memref<96x128xf32, #tpu.memory_space<vmem>>[vector<16xi32>, vector<16xi32>], vector<16xf32>,
        %broadcast_in_dim3A_272 = arith.constant 47 : i32
        %broadcast_in_dim3A_273 = vector.broadcast %broadcast_in_dim3A_272 : i32 to vector<16xi32>
        %gather3A_274 = tpu.vector_load_idx %arg11[%broadcast_in_dim3A_273, %and3A_129] : memref<64x1024xf32, #tpu.memory_space<vmem>>[vector<16xi32>, vector<16xi32>], vector<16xf32>,
        tpu.vector_store_idx %arg12[%add3A_131, %broadcast_in_dim3A_273], %gather3A_274 : memref<96x128xf32, #tpu.memory_space<vmem>>[vector<16xi32>, vector<16xi32>], vector<16xf32>,
        %broadcast_in_dim3A_275 = arith.constant 48 : i32
        %broadcast_in_dim3A_276 = vector.broadcast %broadcast_in_dim3A_275 : i32 to vector<16xi32>
        %gather3A_277 = tpu.vector_load_idx %arg11[%broadcast_in_dim3A_276, %and3A_129] : memref<64x1024xf32, #tpu.memory_space<vmem>>[vector<16xi32>, vector<16xi32>], vector<16xf32>,
        tpu.vector_store_idx %arg12[%add3A_131, %broadcast_in_dim3A_276], %gather3A_277 : memref<96x128xf32, #tpu.memory_space<vmem>>[vector<16xi32>, vector<16xi32>], vector<16xf32>,
        %broadcast_in_dim3A_278 = arith.constant 49 : i32
        %broadcast_in_dim3A_279 = vector.broadcast %broadcast_in_dim3A_278 : i32 to vector<16xi32>
        %gather3A_280 = tpu.vector_load_idx %arg11[%broadcast_in_dim3A_279, %and3A_129] : memref<64x1024xf32, #tpu.memory_space<vmem>>[vector<16xi32>, vector<16xi32>], vector<16xf32>,
        tpu.vector_store_idx %arg12[%add3A_131, %broadcast_in_dim3A_279], %gather3A_280 : memref<96x128xf32, #tpu.memory_space<vmem>>[vector<16xi32>, vector<16xi32>], vector<16xf32>,
        %broadcast_in_dim3A_281 = arith.constant 50 : i32
        %broadcast_in_dim3A_282 = vector.broadcast %broadcast_in_dim3A_281 : i32 to vector<16xi32>
        %gather3A_283 = tpu.vector_load_idx %arg11[%broadcast_in_dim3A_282, %and3A_129] : memref<64x1024xf32, #tpu.memory_space<vmem>>[vector<16xi32>, vector<16xi32>], vector<16xf32>,
        tpu.vector_store_idx %arg12[%add3A_131, %broadcast_in_dim3A_282], %gather3A_283 : memref<96x128xf32, #tpu.memory_space<vmem>>[vector<16xi32>, vector<16xi32>], vector<16xf32>,
        %broadcast_in_dim3A_284 = arith.constant 51 : i32
        %broadcast_in_dim3A_285 = vector.broadcast %broadcast_in_dim3A_284 : i32 to vector<16xi32>
        %gather3A_286 = tpu.vector_load_idx %arg11[%broadcast_in_dim3A_285, %and3A_129] : memref<64x1024xf32, #tpu.memory_space<vmem>>[vector<16xi32>, vector<16xi32>], vector<16xf32>,
        tpu.vector_store_idx %arg12[%add3A_131, %broadcast_in_dim3A_285], %gather3A_286 : memref<96x128xf32, #tpu.memory_space<vmem>>[vector<16xi32>, vector<16xi32>], vector<16xf32>,
        %broadcast_in_dim3A_287 = arith.constant 52 : i32
        %broadcast_in_dim3A_288 = vector.broadcast %broadcast_in_dim3A_287 : i32 to vector<16xi32>
        %gather3A_289 = tpu.vector_load_idx %arg11[%broadcast_in_dim3A_288, %and3A_129] : memref<64x1024xf32, #tpu.memory_space<vmem>>[vector<16xi32>, vector<16xi32>], vector<16xf32>,
        tpu.vector_store_idx %arg12[%add3A_131, %broadcast_in_dim3A_288], %gather3A_289 : memref<96x128xf32, #tpu.memory_space<vmem>>[vector<16xi32>, vector<16xi32>], vector<16xf32>,
        %broadcast_in_dim3A_290 = arith.constant 53 : i32
        %broadcast_in_dim3A_291 = vector.broadcast %broadcast_in_dim3A_290 : i32 to vector<16xi32>
        %gather3A_292 = tpu.vector_load_idx %arg11[%broadcast_in_dim3A_291, %and3A_129] : memref<64x1024xf32, #tpu.memory_space<vmem>>[vector<16xi32>, vector<16xi32>], vector<16xf32>,
        tpu.vector_store_idx %arg12[%add3A_131, %broadcast_in_dim3A_291], %gather3A_292 : memref<96x128xf32, #tpu.memory_space<vmem>>[vector<16xi32>, vector<16xi32>], vector<16xf32>,
        %broadcast_in_dim3A_293 = arith.constant 54 : i32
        %broadcast_in_dim3A_294 = vector.broadcast %broadcast_in_dim3A_293 : i32 to vector<16xi32>
        %gather3A_295 = tpu.vector_load_idx %arg11[%broadcast_in_dim3A_294, %and3A_129] : memref<64x1024xf32, #tpu.memory_space<vmem>>[vector<16xi32>, vector<16xi32>], vector<16xf32>,
        tpu.vector_store_idx %arg12[%add3A_131, %broadcast_in_dim3A_294], %gather3A_295 : memref<96x128xf32, #tpu.memory_space<vmem>>[vector<16xi32>, vector<16xi32>], vector<16xf32>,
        %broadcast_in_dim3A_296 = arith.constant 55 : i32
        %broadcast_in_dim3A_297 = vector.broadcast %broadcast_in_dim3A_296 : i32 to vector<16xi32>
        %gather3A_298 = tpu.vector_load_idx %arg11[%broadcast_in_dim3A_297, %and3A_129] : memref<64x1024xf32, #tpu.memory_space<vmem>>[vector<16xi32>, vector<16xi32>], vector<16xf32>,
        tpu.vector_store_idx %arg12[%add3A_131, %broadcast_in_dim3A_297], %gather3A_298 : memref<96x128xf32, #tpu.memory_space<vmem>>[vector<16xi32>, vector<16xi32>], vector<16xf32>,
        %broadcast_in_dim3A_299 = arith.constant 56 : i32
        %broadcast_in_dim3A_300 = vector.broadcast %broadcast_in_dim3A_299 : i32 to vector<16xi32>
        %gather3A_301 = tpu.vector_load_idx %arg11[%broadcast_in_dim3A_300, %and3A_129] : memref<64x1024xf32, #tpu.memory_space<vmem>>[vector<16xi32>, vector<16xi32>], vector<16xf32>,
        tpu.vector_store_idx %arg12[%add3A_131, %broadcast_in_dim3A_300], %gather3A_301 : memref<96x128xf32, #tpu.memory_space<vmem>>[vector<16xi32>, vector<16xi32>], vector<16xf32>,
        %broadcast_in_dim3A_302 = arith.constant 57 : i32
        %broadcast_in_dim3A_303 = vector.broadcast %broadcast_in_dim3A_302 : i32 to vector<16xi32>
        %gather3A_304 = tpu.vector_load_idx %arg11[%broadcast_in_dim3A_303, %and3A_129] : memref<64x1024xf32, #tpu.memory_space<vmem>>[vector<16xi32>, vector<16xi32>], vector<16xf32>,
        tpu.vector_store_idx %arg12[%add3A_131, %broadcast_in_dim3A_303], %gather3A_304 : memref<96x128xf32, #tpu.memory_space<vmem>>[vector<16xi32>, vector<16xi32>], vector<16xf32>,
        %broadcast_in_dim3A_305 = arith.constant 58 : i32
        %broadcast_in_dim3A_306 = vector.broadcast %broadcast_in_dim3A_305 : i32 to vector<16xi32>
        %gather3A_307 = tpu.vector_load_idx %arg11[%broadcast_in_dim3A_306, %and3A_129] : memref<64x1024xf32, #tpu.memory_space<vmem>>[vector<16xi32>, vector<16xi32>], vector<16xf32>,
        tpu.vector_store_idx %arg12[%add3A_131, %broadcast_in_dim3A_306], %gather3A_307 : memref<96x128xf32, #tpu.memory_space<vmem>>[vector<16xi32>, vector<16xi32>], vector<16xf32>,
        %broadcast_in_dim3A_308 = arith.constant 59 : i32
        %broadcast_in_dim3A_309 = vector.broadcast %broadcast_in_dim3A_308 : i32 to vector<16xi32>
        %gather3A_310 = tpu.vector_load_idx %arg11[%broadcast_in_dim3A_309, %and3A_129] : memref<64x1024xf32, #tpu.memory_space<vmem>>[vector<16xi32>, vector<16xi32>], vector<16xf32>,
        tpu.vector_store_idx %arg12[%add3A_131, %broadcast_in_dim3A_309], %gather3A_310 : memref<96x128xf32, #tpu.memory_space<vmem>>[vector<16xi32>, vector<16xi32>], vector<16xf32>,
        %broadcast_in_dim3A_311 = arith.constant 60 : i32
        %broadcast_in_dim3A_312 = vector.broadcast %broadcast_in_dim3A_311 : i32 to vector<16xi32>
        %gather3A_313 = tpu.vector_load_idx %arg11[%broadcast_in_dim3A_312, %and3A_129] : memref<64x1024xf32, #tpu.memory_space<vmem>>[vector<16xi32>, vector<16xi32>], vector<16xf32>,
        tpu.vector_store_idx %arg12[%add3A_131, %broadcast_in_dim3A_312], %gather3A_313 : memref<96x128xf32, #tpu.memory_space<vmem>>[vector<16xi32>, vector<16xi32>], vector<16xf32>,
        %broadcast_in_dim3A_314 = arith.constant 61 : i32
        %broadcast_in_dim3A_315 = vector.broadcast %broadcast_in_dim3A_314 : i32 to vector<16xi32>
        %gather3A_316 = tpu.vector_load_idx %arg11[%broadcast_in_dim3A_315, %and3A_129] : memref<64x1024xf32, #tpu.memory_space<vmem>>[vector<16xi32>, vector<16xi32>], vector<16xf32>,
        tpu.vector_store_idx %arg12[%add3A_131, %broadcast_in_dim3A_315], %gather3A_316 : memref<96x128xf32, #tpu.memory_space<vmem>>[vector<16xi32>, vector<16xi32>], vector<16xf32>,
        %broadcast_in_dim3A_317 = arith.constant 62 : i32
        %broadcast_in_dim3A_318 = vector.broadcast %broadcast_in_dim3A_317 : i32 to vector<16xi32>
        %gather3A_319 = tpu.vector_load_idx %arg11[%broadcast_in_dim3A_318, %and3A_129] : memref<64x1024xf32, #tpu.memory_space<vmem>>[vector<16xi32>, vector<16xi32>], vector<16xf32>,
        tpu.vector_store_idx %arg12[%add3A_131, %broadcast_in_dim3A_318], %gather3A_319 : memref<96x128xf32, #tpu.memory_space<vmem>>[vector<16xi32>, vector<16xi32>], vector<16xf32>,
        %broadcast_in_dim3A_320 = arith.constant 63 : i32
        %broadcast_in_dim3A_321 = vector.broadcast %broadcast_in_dim3A_320 : i32 to vector<16xi32>
        %gather3A_322 = tpu.vector_load_idx %arg11[%broadcast_in_dim3A_321, %and3A_129] : memref<64x1024xf32, #tpu.memory_space<vmem>>[vector<16xi32>, vector<16xi32>], vector<16xf32>,
        tpu.vector_store_idx %arg12[%add3A_131, %broadcast_in_dim3A_321], %gather3A_322 : memref<96x128xf32, #tpu.memory_space<vmem>>[vector<16xi32>, vector<16xi32>], vector<16xf32>,
      }
      %while3A_113 = arith.constant 1 : i32
      scf.for %while3A_119 = %while3A_111 to %while3A_107 step %while3A_113  : i32 {
        %mul3A_120 = arith.constant 16 : i32
        %mul3A_121 = arith.muli %while3A_119, %mul3A_120 : i32
        %add3A_122 = arith.addi %sub3A_49, %mul3A_121 : i32
        %get3A_123 = arith.index_cast %add3A_122 : i32 to index
        %get3A_124 = tpu.vector_load %arg8[%get3A_123] {strides = array<i32>} : memref<1056xi32, #tpu.memory_space<vmem>>, vector<16xi32>,
        %sub3A_125 = vector.broadcast %multiple_of3A_36 : i32 to vector<16xi32>
        %sub3A_126 = arith.subi %get3A_124, %sub3A_125 : vector<16xi32>
        %and3A_127 = arith.constant 1023 : i32
        %and3A_128 = vector.broadcast %and3A_127 : i32 to vector<16xi32>
        %and3A_129 = arith.andi %sub3A_126, %and3A_128 : vector<16xi32>
        %add3A_130 = vector.broadcast %mul3A_121 : i32 to vector<16xi32>
        %add3A_131 = arith.addi %add3A_130, %iota3A : vector<16xi32>
        %broadcast_in_dim3A_132 = arith.constant 0 : i32
        %broadcast_in_dim3A_133 = vector.broadcast %broadcast_in_dim3A_132 : i32 to vector<16xi32>
        %gather3A = tpu.vector_load_idx %arg11[%broadcast_in_dim3A_133, %and3A_129] : memref<64x1024xf32, #tpu.memory_space<vmem>>[vector<16xi32>, vector<16xi32>], vector<16xf32>,
        tpu.vector_store_idx %arg12[%add3A_131, %broadcast_in_dim3A_133], %gather3A : memref<96x128xf32, #tpu.memory_space<vmem>>[vector<16xi32>, vector<16xi32>], vector<16xf32>,
        %broadcast_in_dim3A_134 = arith.constant 1 : i32
        %broadcast_in_dim3A_135 = vector.broadcast %broadcast_in_dim3A_134 : i32 to vector<16xi32>
        %gather3A_136 = tpu.vector_load_idx %arg11[%broadcast_in_dim3A_135, %and3A_129] : memref<64x1024xf32, #tpu.memory_space<vmem>>[vector<16xi32>, vector<16xi32>], vector<16xf32>,
        tpu.vector_store_idx %arg12[%add3A_131, %broadcast_in_dim3A_135], %gather3A_136 : memref<96x128xf32, #tpu.memory_space<vmem>>[vector<16xi32>, vector<16xi32>], vector<16xf32>,
        %broadcast_in_dim3A_137 = arith.constant 2 : i32
        %broadcast_in_dim3A_138 = vector.broadcast %broadcast_in_dim3A_137 : i32 to vector<16xi32>
        %gather3A_139 = tpu.vector_load_idx %arg11[%broadcast_in_dim3A_138, %and3A_129] : memref<64x1024xf32, #tpu.memory_space<vmem>>[vector<16xi32>, vector<16xi32>], vector<16xf32>,
        tpu.vector_store_idx %arg12[%add3A_131, %broadcast_in_dim3A_138], %gather3A_139 : memref<96x128xf32, #tpu.memory_space<vmem>>[vector<16xi32>, vector<16xi32>], vector<16xf32>,
        %broadcast_in_dim3A_140 = arith.constant 3 : i32
        %broadcast_in_dim3A_141 = vector.broadcast %broadcast_in_dim3A_140 : i32 to vector<16xi32>
        %gather3A_142 = tpu.vector_load_idx %arg11[%broadcast_in_dim3A_141, %and3A_129] : memref<64x1024xf32, #tpu.memory_space<vmem>>[vector<16xi32>, vector<16xi32>], vector<16xf32>,
        tpu.vector_store_idx %arg12[%add3A_131, %broadcast_in_dim3A_141], %gather3A_142 : memref<96x128xf32, #tpu.memory_space<vmem>>[vector<16xi32>, vector<16xi32>], vector<16xf32>,
        %broadcast_in_dim3A_143 = arith.constant 4 : i32
        %broadcast_in_dim3A_144 = vector.broadcast %broadcast_in_dim3A_143 : i32 to vector<16xi32>
        %gather3A_145 = tpu.vector_load_idx %arg11[%broadcast_in_dim3A_144, %and3A_129] : memref<64x1024xf32, #tpu.memory_space<vmem>>[vector<16xi32>, vector<16xi32>], vector<16xf32>,
        tpu.vector_store_idx %arg12[%add3A_131, %broadcast_in_dim3A_144], %gather3A_145 : memref<96x128xf32, #tpu.memory_space<vmem>>[vector<16xi32>, vector<16xi32>], vector<16xf32>,
        %broadcast_in_dim3A_146 = arith.constant 5 : i32
        %broadcast_in_dim3A_147 = vector.broadcast %broadcast_in_dim3A_146 : i32 to vector<16xi32>
        %gather3A_148 = tpu.vector_load_idx %arg11[%broadcast_in_dim3A_147, %and3A_129] : memref<64x1024xf32, #tpu.memory_space<vmem>>[vector<16xi32>, vector<16xi32>], vector<16xf32>,
        tpu.vector_store_idx %arg12[%add3A_131, %broadcast_in_dim3A_147], %gather3A_148 : memref<96x128xf32, #tpu.memory_space<vmem>>[vector<16xi32>, vector<16xi32>], vector<16xf32>,
        %broadcast_in_dim3A_149 = arith.constant 6 : i32
        %broadcast_in_dim3A_150 = vector.broadcast %broadcast_in_dim3A_149 : i32 to vector<16xi32>
        %gather3A_151 = tpu.vector_load_idx %arg11[%broadcast_in_dim3A_150, %and3A_129] : memref<64x1024xf32, #tpu.memory_space<vmem>>[vector<16xi32>, vector<16xi32>], vector<16xf32>,
        tpu.vector_store_idx %arg12[%add3A_131, %broadcast_in_dim3A_150], %gather3A_151 : memref<96x128xf32, #tpu.memory_space<vmem>>[vector<16xi32>, vector<16xi32>], vector<16xf32>,
        %broadcast_in_dim3A_152 = arith.constant 7 : i32
        %broadcast_in_dim3A_153 = vector.broadcast %broadcast_in_dim3A_152 : i32 to vector<16xi32>
        %gather3A_154 = tpu.vector_load_idx %arg11[%broadcast_in_dim3A_153, %and3A_129] : memref<64x1024xf32, #tpu.memory_space<vmem>>[vector<16xi32>, vector<16xi32>], vector<16xf32>,
        tpu.vector_store_idx %arg12[%add3A_131, %broadcast_in_dim3A_153], %gather3A_154 : memref<96x128xf32, #tpu.memory_space<vmem>>[vector<16xi32>, vector<16xi32>], vector<16xf32>,
        %broadcast_in_dim3A_155 = arith.constant 8 : i32
        %broadcast_in_dim3A_156 = vector.broadcast %broadcast_in_dim3A_155 : i32 to vector<16xi32>
        %gather3A_157 = tpu.vector_load_idx %arg11[%broadcast_in_dim3A_156, %and3A_129] : memref<64x1024xf32, #tpu.memory_space<vmem>>[vector<16xi32>, vector<16xi32>], vector<16xf32>,
        tpu.vector_store_idx %arg12[%add3A_131, %broadcast_in_dim3A_156], %gather3A_157 : memref<96x128xf32, #tpu.memory_space<vmem>>[vector<16xi32>, vector<16xi32>], vector<16xf32>,
        %broadcast_in_dim3A_158 = arith.constant 9 : i32
        %broadcast_in_dim3A_159 = vector.broadcast %broadcast_in_dim3A_158 : i32 to vector<16xi32>
        %gather3A_160 = tpu.vector_load_idx %arg11[%broadcast_in_dim3A_159, %and3A_129] : memref<64x1024xf32, #tpu.memory_space<vmem>>[vector<16xi32>, vector<16xi32>], vector<16xf32>,
        tpu.vector_store_idx %arg12[%add3A_131, %broadcast_in_dim3A_159], %gather3A_160 : memref<96x128xf32, #tpu.memory_space<vmem>>[vector<16xi32>, vector<16xi32>], vector<16xf32>,
        %broadcast_in_dim3A_161 = arith.constant 10 : i32
        %broadcast_in_dim3A_162 = vector.broadcast %broadcast_in_dim3A_161 : i32 to vector<16xi32>
        %gather3A_163 = tpu.vector_load_idx %arg11[%broadcast_in_dim3A_162, %and3A_129] : memref<64x1024xf32, #tpu.memory_space<vmem>>[vector<16xi32>, vector<16xi32>], vector<16xf32>,
        tpu.vector_store_idx %arg12[%add3A_131, %broadcast_in_dim3A_162], %gather3A_163 : memref<96x128xf32, #tpu.memory_space<vmem>>[vector<16xi32>, vector<16xi32>], vector<16xf32>,
        %broadcast_in_dim3A_164 = arith.constant 11 : i32
        %broadcast_in_dim3A_165 = vector.broadcast %broadcast_in_dim3A_164 : i32 to vector<16xi32>
        %gather3A_166 = tpu.vector_load_idx %arg11[%broadcast_in_dim3A_165, %and3A_129] : memref<64x1024xf32, #tpu.memory_space<vmem>>[vector<16xi32>, vector<16xi32>], vector<16xf32>,
        tpu.vector_store_idx %arg12[%add3A_131, %broadcast_in_dim3A_165], %gather3A_166 : memref<96x128xf32, #tpu.memory_space<vmem>>[vector<16xi32>, vector<16xi32>], vector<16xf32>,
        %broadcast_in_dim3A_167 = arith.constant 12 : i32
        %broadcast_in_dim3A_168 = vector.broadcast %broadcast_in_dim3A_167 : i32 to vector<16xi32>
        %gather3A_169 = tpu.vector_load_idx %arg11[%broadcast_in_dim3A_168, %and3A_129] : memref<64x1024xf32, #tpu.memory_space<vmem>>[vector<16xi32>, vector<16xi32>], vector<16xf32>,
        tpu.vector_store_idx %arg12[%add3A_131, %broadcast_in_dim3A_168], %gather3A_169 : memref<96x128xf32, #tpu.memory_space<vmem>>[vector<16xi32>, vector<16xi32>], vector<16xf32>,
        %broadcast_in_dim3A_170 = arith.constant 13 : i32
        %broadcast_in_dim3A_171 = vector.broadcast %broadcast_in_dim3A_170 : i32 to vector<16xi32>
        %gather3A_172 = tpu.vector_load_idx %arg11[%broadcast_in_dim3A_171, %and3A_129] : memref<64x1024xf32, #tpu.memory_space<vmem>>[vector<16xi32>, vector<16xi32>], vector<16xf32>,
        tpu.vector_store_idx %arg12[%add3A_131, %broadcast_in_dim3A_171], %gather3A_172 : memref<96x128xf32, #tpu.memory_space<vmem>>[vector<16xi32>, vector<16xi32>], vector<16xf32>,
        %broadcast_in_dim3A_173 = arith.constant 14 : i32
        %broadcast_in_dim3A_174 = vector.broadcast %broadcast_in_dim3A_173 : i32 to vector<16xi32>
        %gather3A_175 = tpu.vector_load_idx %arg11[%broadcast_in_dim3A_174, %and3A_129] : memref<64x1024xf32, #tpu.memory_space<vmem>>[vector<16xi32>, vector<16xi32>], vector<16xf32>,
        tpu.vector_store_idx %arg12[%add3A_131, %broadcast_in_dim3A_174], %gather3A_175 : memref<96x128xf32, #tpu.memory_space<vmem>>[vector<16xi32>, vector<16xi32>], vector<16xf32>,
        %broadcast_in_dim3A_176 = arith.constant 15 : i32
        %broadcast_in_dim3A_177 = vector.broadcast %broadcast_in_dim3A_176 : i32 to vector<16xi32>
        %gather3A_178 = tpu.vector_load_idx %arg11[%broadcast_in_dim3A_177, %and3A_129] : memref<64x1024xf32, #tpu.memory_space<vmem>>[vector<16xi32>, vector<16xi32>], vector<16xf32>,
        tpu.vector_store_idx %arg12[%add3A_131, %broadcast_in_dim3A_177], %gather3A_178 : memref<96x128xf32, #tpu.memory_space<vmem>>[vector<16xi32>, vector<16xi32>], vector<16xf32>,
        %broadcast_in_dim3A_179 = arith.constant 16 : i32
        %broadcast_in_dim3A_180 = vector.broadcast %broadcast_in_dim3A_179 : i32 to vector<16xi32>
        %gather3A_181 = tpu.vector_load_idx %arg11[%broadcast_in_dim3A_180, %and3A_129] : memref<64x1024xf32, #tpu.memory_space<vmem>>[vector<16xi32>, vector<16xi32>], vector<16xf32>,
        tpu.vector_store_idx %arg12[%add3A_131, %broadcast_in_dim3A_180], %gather3A_181 : memref<96x128xf32, #tpu.memory_space<vmem>>[vector<16xi32>, vector<16xi32>], vector<16xf32>,
        %broadcast_in_dim3A_182 = arith.constant 17 : i32
        %broadcast_in_dim3A_183 = vector.broadcast %broadcast_in_dim3A_182 : i32 to vector<16xi32>
        %gather3A_184 = tpu.vector_load_idx %arg11[%broadcast_in_dim3A_183, %and3A_129] : memref<64x1024xf32, #tpu.memory_space<vmem>>[vector<16xi32>, vector<16xi32>], vector<16xf32>,
        tpu.vector_store_idx %arg12[%add3A_131, %broadcast_in_dim3A_183], %gather3A_184 : memref<96x128xf32, #tpu.memory_space<vmem>>[vector<16xi32>, vector<16xi32>], vector<16xf32>,
        %broadcast_in_dim3A_185 = arith.constant 18 : i32
        %broadcast_in_dim3A_186 = vector.broadcast %broadcast_in_dim3A_185 : i32 to vector<16xi32>
        %gather3A_187 = tpu.vector_load_idx %arg11[%broadcast_in_dim3A_186, %and3A_129] : memref<64x1024xf32, #tpu.memory_space<vmem>>[vector<16xi32>, vector<16xi32>], vector<16xf32>,
        tpu.vector_store_idx %arg12[%add3A_131, %broadcast_in_dim3A_186], %gather3A_187 : memref<96x128xf32, #tpu.memory_space<vmem>>[vector<16xi32>, vector<16xi32>], vector<16xf32>,
        %broadcast_in_dim3A_188 = arith.constant 19 : i32
        %broadcast_in_dim3A_189 = vector.broadcast %broadcast_in_dim3A_188 : i32 to vector<16xi32>
        %gather3A_190 = tpu.vector_load_idx %arg11[%broadcast_in_dim3A_189, %and3A_129] : memref<64x1024xf32, #tpu.memory_space<vmem>>[vector<16xi32>, vector<16xi32>], vector<16xf32>,
        tpu.vector_store_idx %arg12[%add3A_131, %broadcast_in_dim3A_189], %gather3A_190 : memref<96x128xf32, #tpu.memory_space<vmem>>[vector<16xi32>, vector<16xi32>], vector<16xf32>,
        %broadcast_in_dim3A_191 = arith.constant 20 : i32
        %broadcast_in_dim3A_192 = vector.broadcast %broadcast_in_dim3A_191 : i32 to vector<16xi32>
        %gather3A_193 = tpu.vector_load_idx %arg11[%broadcast_in_dim3A_192, %and3A_129] : memref<64x1024xf32, #tpu.memory_space<vmem>>[vector<16xi32>, vector<16xi32>], vector<16xf32>,
        tpu.vector_store_idx %arg12[%add3A_131, %broadcast_in_dim3A_192], %gather3A_193 : memref<96x128xf32, #tpu.memory_space<vmem>>[vector<16xi32>, vector<16xi32>], vector<16xf32>,
        %broadcast_in_dim3A_194 = arith.constant 21 : i32
        %broadcast_in_dim3A_195 = vector.broadcast %broadcast_in_dim3A_194 : i32 to vector<16xi32>
        %gather3A_196 = tpu.vector_load_idx %arg11[%broadcast_in_dim3A_195, %and3A_129] : memref<64x1024xf32, #tpu.memory_space<vmem>>[vector<16xi32>, vector<16xi32>], vector<16xf32>,
        tpu.vector_store_idx %arg12[%add3A_131, %broadcast_in_dim3A_195], %gather3A_196 : memref<96x128xf32, #tpu.memory_space<vmem>>[vector<16xi32>, vector<16xi32>], vector<16xf32>,
        %broadcast_in_dim3A_197 = arith.constant 22 : i32
        %broadcast_in_dim3A_198 = vector.broadcast %broadcast_in_dim3A_197 : i32 to vector<16xi32>
        %gather3A_199 = tpu.vector_load_idx %arg11[%broadcast_in_dim3A_198, %and3A_129] : memref<64x1024xf32, #tpu.memory_space<vmem>>[vector<16xi32>, vector<16xi32>], vector<16xf32>,
        tpu.vector_store_idx %arg12[%add3A_131, %broadcast_in_dim3A_198], %gather3A_199 : memref<96x128xf32, #tpu.memory_space<vmem>>[vector<16xi32>, vector<16xi32>], vector<16xf32>,
        %broadcast_in_dim3A_200 = arith.constant 23 : i32
        %broadcast_in_dim3A_201 = vector.broadcast %broadcast_in_dim3A_200 : i32 to vector<16xi32>
        %gather3A_202 = tpu.vector_load_idx %arg11[%broadcast_in_dim3A_201, %and3A_129] : memref<64x1024xf32, #tpu.memory_space<vmem>>[vector<16xi32>, vector<16xi32>], vector<16xf32>,
        tpu.vector_store_idx %arg12[%add3A_131, %broadcast_in_dim3A_201], %gather3A_202 : memref<96x128xf32, #tpu.memory_space<vmem>>[vector<16xi32>, vector<16xi32>], vector<16xf32>,
        %broadcast_in_dim3A_203 = arith.constant 24 : i32
        %broadcast_in_dim3A_204 = vector.broadcast %broadcast_in_dim3A_203 : i32 to vector<16xi32>
        %gather3A_205 = tpu.vector_load_idx %arg11[%broadcast_in_dim3A_204, %and3A_129] : memref<64x1024xf32, #tpu.memory_space<vmem>>[vector<16xi32>, vector<16xi32>], vector<16xf32>,
        tpu.vector_store_idx %arg12[%add3A_131, %broadcast_in_dim3A_204], %gather3A_205 : memref<96x128xf32, #tpu.memory_space<vmem>>[vector<16xi32>, vector<16xi32>], vector<16xf32>,
        %broadcast_in_dim3A_206 = arith.constant 25 : i32
        %broadcast_in_dim3A_207 = vector.broadcast %broadcast_in_dim3A_206 : i32 to vector<16xi32>
        %gather3A_208 = tpu.vector_load_idx %arg11[%broadcast_in_dim3A_207, %and3A_129] : memref<64x1024xf32, #tpu.memory_space<vmem>>[vector<16xi32>, vector<16xi32>], vector<16xf32>,
        tpu.vector_store_idx %arg12[%add3A_131, %broadcast_in_dim3A_207], %gather3A_208 : memref<96x128xf32, #tpu.memory_space<vmem>>[vector<16xi32>, vector<16xi32>], vector<16xf32>,
        %broadcast_in_dim3A_209 = arith.constant 26 : i32
        %broadcast_in_dim3A_210 = vector.broadcast %broadcast_in_dim3A_209 : i32 to vector<16xi32>
        %gather3A_211 = tpu.vector_load_idx %arg11[%broadcast_in_dim3A_210, %and3A_129] : memref<64x1024xf32, #tpu.memory_space<vmem>>[vector<16xi32>, vector<16xi32>], vector<16xf32>,
        tpu.vector_store_idx %arg12[%add3A_131, %broadcast_in_dim3A_210], %gather3A_211 : memref<96x128xf32, #tpu.memory_space<vmem>>[vector<16xi32>, vector<16xi32>], vector<16xf32>,
        %broadcast_in_dim3A_212 = arith.constant 27 : i32
        %broadcast_in_dim3A_213 = vector.broadcast %broadcast_in_dim3A_212 : i32 to vector<16xi32>
        %gather3A_214 = tpu.vector_load_idx %arg11[%broadcast_in_dim3A_213, %and3A_129] : memref<64x1024xf32, #tpu.memory_space<vmem>>[vector<16xi32>, vector<16xi32>], vector<16xf32>,
        tpu.vector_store_idx %arg12[%add3A_131, %broadcast_in_dim3A_213], %gather3A_214 : memref<96x128xf32, #tpu.memory_space<vmem>>[vector<16xi32>, vector<16xi32>], vector<16xf32>,
        %broadcast_in_dim3A_215 = arith.constant 28 : i32
        %broadcast_in_dim3A_216 = vector.broadcast %broadcast_in_dim3A_215 : i32 to vector<16xi32>
        %gather3A_217 = tpu.vector_load_idx %arg11[%broadcast_in_dim3A_216, %and3A_129] : memref<64x1024xf32, #tpu.memory_space<vmem>>[vector<16xi32>, vector<16xi32>], vector<16xf32>,
        tpu.vector_store_idx %arg12[%add3A_131, %broadcast_in_dim3A_216], %gather3A_217 : memref<96x128xf32, #tpu.memory_space<vmem>>[vector<16xi32>, vector<16xi32>], vector<16xf32>,
        %broadcast_in_dim3A_218 = arith.constant 29 : i32
        %broadcast_in_dim3A_219 = vector.broadcast %broadcast_in_dim3A_218 : i32 to vector<16xi32>
        %gather3A_220 = tpu.vector_load_idx %arg11[%broadcast_in_dim3A_219, %and3A_129] : memref<64x1024xf32, #tpu.memory_space<vmem>>[vector<16xi32>, vector<16xi32>], vector<16xf32>,
        tpu.vector_store_idx %arg12[%add3A_131, %broadcast_in_dim3A_219], %gather3A_220 : memref<96x128xf32, #tpu.memory_space<vmem>>[vector<16xi32>, vector<16xi32>], vector<16xf32>,
        %broadcast_in_dim3A_221 = arith.constant 30 : i32
        %broadcast_in_dim3A_222 = vector.broadcast %broadcast_in_dim3A_221 : i32 to vector<16xi32>
        %gather3A_223 = tpu.vector_load_idx %arg11[%broadcast_in_dim3A_222, %and3A_129] : memref<64x1024xf32, #tpu.memory_space<vmem>>[vector<16xi32>, vector<16xi32>], vector<16xf32>,
        tpu.vector_store_idx %arg12[%add3A_131, %broadcast_in_dim3A_222], %gather3A_223 : memref<96x128xf32, #tpu.memory_space<vmem>>[vector<16xi32>, vector<16xi32>], vector<16xf32>,
        %broadcast_in_dim3A_224 = arith.constant 31 : i32
        %broadcast_in_dim3A_225 = vector.broadcast %broadcast_in_dim3A_224 : i32 to vector<16xi32>
        %gather3A_226 = tpu.vector_load_idx %arg11[%broadcast_in_dim3A_225, %and3A_129] : memref<64x1024xf32, #tpu.memory_space<vmem>>[vector<16xi32>, vector<16xi32>], vector<16xf32>,
        tpu.vector_store_idx %arg12[%add3A_131, %broadcast_in_dim3A_225], %gather3A_226 : memref<96x128xf32, #tpu.memory_space<vmem>>[vector<16xi32>, vector<16xi32>], vector<16xf32>,
        %broadcast_in_dim3A_227 = arith.constant 32 : i32
        %broadcast_in_dim3A_228 = vector.broadcast %broadcast_in_dim3A_227 : i32 to vector<16xi32>
        %gather3A_229 = tpu.vector_load_idx %arg11[%broadcast_in_dim3A_228, %and3A_129] : memref<64x1024xf32, #tpu.memory_space<vmem>>[vector<16xi32>, vector<16xi32>], vector<16xf32>,
        tpu.vector_store_idx %arg12[%add3A_131, %broadcast_in_dim3A_228], %gather3A_229 : memref<96x128xf32, #tpu.memory_space<vmem>>[vector<16xi32>, vector<16xi32>], vector<16xf32>,
        %broadcast_in_dim3A_230 = arith.constant 33 : i32
        %broadcast_in_dim3A_231 = vector.broadcast %broadcast_in_dim3A_230 : i32 to vector<16xi32>
        %gather3A_232 = tpu.vector_load_idx %arg11[%broadcast_in_dim3A_231, %and3A_129] : memref<64x1024xf32, #tpu.memory_space<vmem>>[vector<16xi32>, vector<16xi32>], vector<16xf32>,
        tpu.vector_store_idx %arg12[%add3A_131, %broadcast_in_dim3A_231], %gather3A_232 : memref<96x128xf32, #tpu.memory_space<vmem>>[vector<16xi32>, vector<16xi32>], vector<16xf32>,
        %broadcast_in_dim3A_233 = arith.constant 34 : i32
        %broadcast_in_dim3A_234 = vector.broadcast %broadcast_in_dim3A_233 : i32 to vector<16xi32>
        %gather3A_235 = tpu.vector_load_idx %arg11[%broadcast_in_dim3A_234, %and3A_129] : memref<64x1024xf32, #tpu.memory_space<vmem>>[vector<16xi32>, vector<16xi32>], vector<16xf32>,
        tpu.vector_store_idx %arg12[%add3A_131, %broadcast_in_dim3A_234], %gather3A_235 : memref<96x128xf32, #tpu.memory_space<vmem>>[vector<16xi32>, vector<16xi32>], vector<16xf32>,
        %broadcast_in_dim3A_236 = arith.constant 35 : i32
        %broadcast_in_dim3A_237 = vector.broadcast %broadcast_in_dim3A_236 : i32 to vector<16xi32>
        %gather3A_238 = tpu.vector_load_idx %arg11[%broadcast_in_dim3A_237, %and3A_129] : memref<64x1024xf32, #tpu.memory_space<vmem>>[vector<16xi32>, vector<16xi32>], vector<16xf32>,
        tpu.vector_store_idx %arg12[%add3A_131, %broadcast_in_dim3A_237], %gather3A_238 : memref<96x128xf32, #tpu.memory_space<vmem>>[vector<16xi32>, vector<16xi32>], vector<16xf32>,
        %broadcast_in_dim3A_239 = arith.constant 36 : i32
        %broadcast_in_dim3A_240 = vector.broadcast %broadcast_in_dim3A_239 : i32 to vector<16xi32>
        %gather3A_241 = tpu.vector_load_idx %arg11[%broadcast_in_dim3A_240, %and3A_129] : memref<64x1024xf32, #tpu.memory_space<vmem>>[vector<16xi32>, vector<16xi32>], vector<16xf32>,
        tpu.vector_store_idx %arg12[%add3A_131, %broadcast_in_dim3A_240], %gather3A_241 : memref<96x128xf32, #tpu.memory_space<vmem>>[vector<16xi32>, vector<16xi32>], vector<16xf32>,
        %broadcast_in_dim3A_242 = arith.constant 37 : i32
        %broadcast_in_dim3A_243 = vector.broadcast %broadcast_in_dim3A_242 : i32 to vector<16xi32>
        %gather3A_244 = tpu.vector_load_idx %arg11[%broadcast_in_dim3A_243, %and3A_129] : memref<64x1024xf32, #tpu.memory_space<vmem>>[vector<16xi32>, vector<16xi32>], vector<16xf32>,
        tpu.vector_store_idx %arg12[%add3A_131, %broadcast_in_dim3A_243], %gather3A_244 : memref<96x128xf32, #tpu.memory_space<vmem>>[vector<16xi32>, vector<16xi32>], vector<16xf32>,
        %broadcast_in_dim3A_245 = arith.constant 38 : i32
        %broadcast_in_dim3A_246 = vector.broadcast %broadcast_in_dim3A_245 : i32 to vector<16xi32>
        %gather3A_247 = tpu.vector_load_idx %arg11[%broadcast_in_dim3A_246, %and3A_129] : memref<64x1024xf32, #tpu.memory_space<vmem>>[vector<16xi32>, vector<16xi32>], vector<16xf32>,
        tpu.vector_store_idx %arg12[%add3A_131, %broadcast_in_dim3A_246], %gather3A_247 : memref<96x128xf32, #tpu.memory_space<vmem>>[vector<16xi32>, vector<16xi32>], vector<16xf32>,
        %broadcast_in_dim3A_248 = arith.constant 39 : i32
        %broadcast_in_dim3A_249 = vector.broadcast %broadcast_in_dim3A_248 : i32 to vector<16xi32>
        %gather3A_250 = tpu.vector_load_idx %arg11[%broadcast_in_dim3A_249, %and3A_129] : memref<64x1024xf32, #tpu.memory_space<vmem>>[vector<16xi32>, vector<16xi32>], vector<16xf32>,
        tpu.vector_store_idx %arg12[%add3A_131, %broadcast_in_dim3A_249], %gather3A_250 : memref<96x128xf32, #tpu.memory_space<vmem>>[vector<16xi32>, vector<16xi32>], vector<16xf32>,
        %broadcast_in_dim3A_251 = arith.constant 40 : i32
        %broadcast_in_dim3A_252 = vector.broadcast %broadcast_in_dim3A_251 : i32 to vector<16xi32>
        %gather3A_253 = tpu.vector_load_idx %arg11[%broadcast_in_dim3A_252, %and3A_129] : memref<64x1024xf32, #tpu.memory_space<vmem>>[vector<16xi32>, vector<16xi32>], vector<16xf32>,
        tpu.vector_store_idx %arg12[%add3A_131, %broadcast_in_dim3A_252], %gather3A_253 : memref<96x128xf32, #tpu.memory_space<vmem>>[vector<16xi32>, vector<16xi32>], vector<16xf32>,
        %broadcast_in_dim3A_254 = arith.constant 41 : i32
        %broadcast_in_dim3A_255 = vector.broadcast %broadcast_in_dim3A_254 : i32 to vector<16xi32>
        %gather3A_256 = tpu.vector_load_idx %arg11[%broadcast_in_dim3A_255, %and3A_129] : memref<64x1024xf32, #tpu.memory_space<vmem>>[vector<16xi32>, vector<16xi32>], vector<16xf32>,
        tpu.vector_store_idx %arg12[%add3A_131, %broadcast_in_dim3A_255], %gather3A_256 : memref<96x128xf32, #tpu.memory_space<vmem>>[vector<16xi32>, vector<16xi32>], vector<16xf32>,
        %broadcast_in_dim3A_257 = arith.constant 42 : i32
        %broadcast_in_dim3A_258 = vector.broadcast %broadcast_in_dim3A_257 : i32 to vector<16xi32>
        %gather3A_259 = tpu.vector_load_idx %arg11[%broadcast_in_dim3A_258, %and3A_129] : memref<64x1024xf32, #tpu.memory_space<vmem>>[vector<16xi32>, vector<16xi32>], vector<16xf32>,
        tpu.vector_store_idx %arg12[%add3A_131, %broadcast_in_dim3A_258], %gather3A_259 : memref<96x128xf32, #tpu.memory_space<vmem>>[vector<16xi32>, vector<16xi32>], vector<16xf32>,
        %broadcast_in_dim3A_260 = arith.constant 43 : i32
        %broadcast_in_dim3A_261 = vector.broadcast %broadcast_in_dim3A_260 : i32 to vector<16xi32>
        %gather3A_262 = tpu.vector_load_idx %arg11[%broadcast_in_dim3A_261, %and3A_129] : memref<64x1024xf32, #tpu.memory_space<vmem>>[vector<16xi32>, vector<16xi32>], vector<16xf32>,
        tpu.vector_store_idx %arg12[%add3A_131, %broadcast_in_dim3A_261], %gather3A_262 : memref<96x128xf32, #tpu.memory_space<vmem>>[vector<16xi32>, vector<16xi32>], vector<16xf32>,
        %broadcast_in_dim3A_263 = arith.constant 44 : i32
        %broadcast_in_dim3A_264 = vector.broadcast %broadcast_in_dim3A_263 : i32 to vector<16xi32>
        %gather3A_265 = tpu.vector_load_idx %arg11[%broadcast_in_dim3A_264, %and3A_129] : memref<64x1024xf32, #tpu.memory_space<vmem>>[vector<16xi32>, vector<16xi32>], vector<16xf32>,
        tpu.vector_store_idx %arg12[%add3A_131, %broadcast_in_dim3A_264], %gather3A_265 : memref<96x128xf32, #tpu.memory_space<vmem>>[vector<16xi32>, vector<16xi32>], vector<16xf32>,
        %broadcast_in_dim3A_266 = arith.constant 45 : i32
        %broadcast_in_dim3A_267 = vector.broadcast %broadcast_in_dim3A_266 : i32 to vector<16xi32>
        %gather3A_268 = tpu.vector_load_idx %arg11[%broadcast_in_dim3A_267, %and3A_129] : memref<64x1024xf32, #tpu.memory_space<vmem>>[vector<16xi32>, vector<16xi32>], vector<16xf32>,
        tpu.vector_store_idx %arg12[%add3A_131, %broadcast_in_dim3A_267], %gather3A_268 : memref<96x128xf32, #tpu.memory_space<vmem>>[vector<16xi32>, vector<16xi32>], vector<16xf32>,
        %broadcast_in_dim3A_269 = arith.constant 46 : i32
        %broadcast_in_dim3A_270 = vector.broadcast %broadcast_in_dim3A_269 : i32 to vector<16xi32>
        %gather3A_271 = tpu.vector_load_idx %arg11[%broadcast_in_dim3A_270, %and3A_129] : memref<64x1024xf32, #tpu.memory_space<vmem>>[vector<16xi32>, vector<16xi32>], vector<16xf32>,
        tpu.vector_store_idx %arg12[%add3A_131, %broadcast_in_dim3A_270], %gather3A_271 : memref<96x128xf32, #tpu.memory_space<vmem>>[vector<16xi32>, vector<16xi32>], vector<16xf32>,
        %broadcast_in_dim3A_272 = arith.constant 47 : i32
        %broadcast_in_dim3A_273 = vector.broadcast %broadcast_in_dim3A_272 : i32 to vector<16xi32>
        %gather3A_274 = tpu.vector_load_idx %arg11[%broadcast_in_dim3A_273, %and3A_129] : memref<64x1024xf32, #tpu.memory_space<vmem>>[vector<16xi32>, vector<16xi32>], vector<16xf32>,
        tpu.vector_store_idx %arg12[%add3A_131, %broadcast_in_dim3A_273], %gather3A_274 : memref<96x128xf32, #tpu.memory_space<vmem>>[vector<16xi32>, vector<16xi32>], vector<16xf32>,
        %broadcast_in_dim3A_275 = arith.constant 48 : i32
        %broadcast_in_dim3A_276 = vector.broadcast %broadcast_in_dim3A_275 : i32 to vector<16xi32>
        %gather3A_277 = tpu.vector_load_idx %arg11[%broadcast_in_dim3A_276, %and3A_129] : memref<64x1024xf32, #tpu.memory_space<vmem>>[vector<16xi32>, vector<16xi32>], vector<16xf32>,
        tpu.vector_store_idx %arg12[%add3A_131, %broadcast_in_dim3A_276], %gather3A_277 : memref<96x128xf32, #tpu.memory_space<vmem>>[vector<16xi32>, vector<16xi32>], vector<16xf32>,
        %broadcast_in_dim3A_278 = arith.constant 49 : i32
        %broadcast_in_dim3A_279 = vector.broadcast %broadcast_in_dim3A_278 : i32 to vector<16xi32>
        %gather3A_280 = tpu.vector_load_idx %arg11[%broadcast_in_dim3A_279, %and3A_129] : memref<64x1024xf32, #tpu.memory_space<vmem>>[vector<16xi32>, vector<16xi32>], vector<16xf32>,
        tpu.vector_store_idx %arg12[%add3A_131, %broadcast_in_dim3A_279], %gather3A_280 : memref<96x128xf32, #tpu.memory_space<vmem>>[vector<16xi32>, vector<16xi32>], vector<16xf32>,
        %broadcast_in_dim3A_281 = arith.constant 50 : i32
        %broadcast_in_dim3A_282 = vector.broadcast %broadcast_in_dim3A_281 : i32 to vector<16xi32>
        %gather3A_283 = tpu.vector_load_idx %arg11[%broadcast_in_dim3A_282, %and3A_129] : memref<64x1024xf32, #tpu.memory_space<vmem>>[vector<16xi32>, vector<16xi32>], vector<16xf32>,
        tpu.vector_store_idx %arg12[%add3A_131, %broadcast_in_dim3A_282], %gather3A_283 : memref<96x128xf32, #tpu.memory_space<vmem>>[vector<16xi32>, vector<16xi32>], vector<16xf32>,
        %broadcast_in_dim3A_284 = arith.constant 51 : i32
        %broadcast_in_dim3A_285 = vector.broadcast %broadcast_in_dim3A_284 : i32 to vector<16xi32>
        %gather3A_286 = tpu.vector_load_idx %arg11[%broadcast_in_dim3A_285, %and3A_129] : memref<64x1024xf32, #tpu.memory_space<vmem>>[vector<16xi32>, vector<16xi32>], vector<16xf32>,
        tpu.vector_store_idx %arg12[%add3A_131, %broadcast_in_dim3A_285], %gather3A_286 : memref<96x128xf32, #tpu.memory_space<vmem>>[vector<16xi32>, vector<16xi32>], vector<16xf32>,
        %broadcast_in_dim3A_287 = arith.constant 52 : i32
        %broadcast_in_dim3A_288 = vector.broadcast %broadcast_in_dim3A_287 : i32 to vector<16xi32>
        %gather3A_289 = tpu.vector_load_idx %arg11[%broadcast_in_dim3A_288, %and3A_129] : memref<64x1024xf32, #tpu.memory_space<vmem>>[vector<16xi32>, vector<16xi32>], vector<16xf32>,
        tpu.vector_store_idx %arg12[%add3A_131, %broadcast_in_dim3A_288], %gather3A_289 : memref<96x128xf32, #tpu.memory_space<vmem>>[vector<16xi32>, vector<16xi32>], vector<16xf32>,
        %broadcast_in_dim3A_290 = arith.constant 53 : i32
        %broadcast_in_dim3A_291 = vector.broadcast %broadcast_in_dim3A_290 : i32 to vector<16xi32>
        %gather3A_292 = tpu.vector_load_idx %arg11[%broadcast_in_dim3A_291, %and3A_129] : memref<64x1024xf32, #tpu.memory_space<vmem>>[vector<16xi32>, vector<16xi32>], vector<16xf32>,
        tpu.vector_store_idx %arg12[%add3A_131, %broadcast_in_dim3A_291], %gather3A_292 : memref<96x128xf32, #tpu.memory_space<vmem>>[vector<16xi32>, vector<16xi32>], vector<16xf32>,
        %broadcast_in_dim3A_293 = arith.constant 54 : i32
        %broadcast_in_dim3A_294 = vector.broadcast %broadcast_in_dim3A_293 : i32 to vector<16xi32>
        %gather3A_295 = tpu.vector_load_idx %arg11[%broadcast_in_dim3A_294, %and3A_129] : memref<64x1024xf32, #tpu.memory_space<vmem>>[vector<16xi32>, vector<16xi32>], vector<16xf32>,
        tpu.vector_store_idx %arg12[%add3A_131, %broadcast_in_dim3A_294], %gather3A_295 : memref<96x128xf32, #tpu.memory_space<vmem>>[vector<16xi32>, vector<16xi32>], vector<16xf32>,
        %broadcast_in_dim3A_296 = arith.constant 55 : i32
        %broadcast_in_dim3A_297 = vector.broadcast %broadcast_in_dim3A_296 : i32 to vector<16xi32>
        %gather3A_298 = tpu.vector_load_idx %arg11[%broadcast_in_dim3A_297, %and3A_129] : memref<64x1024xf32, #tpu.memory_space<vmem>>[vector<16xi32>, vector<16xi32>], vector<16xf32>,
        tpu.vector_store_idx %arg12[%add3A_131, %broadcast_in_dim3A_297], %gather3A_298 : memref<96x128xf32, #tpu.memory_space<vmem>>[vector<16xi32>, vector<16xi32>], vector<16xf32>,
        %broadcast_in_dim3A_299 = arith.constant 56 : i32
        %broadcast_in_dim3A_300 = vector.broadcast %broadcast_in_dim3A_299 : i32 to vector<16xi32>
        %gather3A_301 = tpu.vector_load_idx %arg11[%broadcast_in_dim3A_300, %and3A_129] : memref<64x1024xf32, #tpu.memory_space<vmem>>[vector<16xi32>, vector<16xi32>], vector<16xf32>,
        tpu.vector_store_idx %arg12[%add3A_131, %broadcast_in_dim3A_300], %gather3A_301 : memref<96x128xf32, #tpu.memory_space<vmem>>[vector<16xi32>, vector<16xi32>], vector<16xf32>,
        %broadcast_in_dim3A_302 = arith.constant 57 : i32
        %broadcast_in_dim3A_303 = vector.broadcast %broadcast_in_dim3A_302 : i32 to vector<16xi32>
        %gather3A_304 = tpu.vector_load_idx %arg11[%broadcast_in_dim3A_303, %and3A_129] : memref<64x1024xf32, #tpu.memory_space<vmem>>[vector<16xi32>, vector<16xi32>], vector<16xf32>,
        tpu.vector_store_idx %arg12[%add3A_131, %broadcast_in_dim3A_303], %gather3A_304 : memref<96x128xf32, #tpu.memory_space<vmem>>[vector<16xi32>, vector<16xi32>], vector<16xf32>,
        %broadcast_in_dim3A_305 = arith.constant 58 : i32
        %broadcast_in_dim3A_306 = vector.broadcast %broadcast_in_dim3A_305 : i32 to vector<16xi32>
        %gather3A_307 = tpu.vector_load_idx %arg11[%broadcast_in_dim3A_306, %and3A_129] : memref<64x1024xf32, #tpu.memory_space<vmem>>[vector<16xi32>, vector<16xi32>], vector<16xf32>,
        tpu.vector_store_idx %arg12[%add3A_131, %broadcast_in_dim3A_306], %gather3A_307 : memref<96x128xf32, #tpu.memory_space<vmem>>[vector<16xi32>, vector<16xi32>], vector<16xf32>,
        %broadcast_in_dim3A_308 = arith.constant 59 : i32
        %broadcast_in_dim3A_309 = vector.broadcast %broadcast_in_dim3A_308 : i32 to vector<16xi32>
        %gather3A_310 = tpu.vector_load_idx %arg11[%broadcast_in_dim3A_309, %and3A_129] : memref<64x1024xf32, #tpu.memory_space<vmem>>[vector<16xi32>, vector<16xi32>], vector<16xf32>,
        tpu.vector_store_idx %arg12[%add3A_131, %broadcast_in_dim3A_309], %gather3A_310 : memref<96x128xf32, #tpu.memory_space<vmem>>[vector<16xi32>, vector<16xi32>], vector<16xf32>,
        %broadcast_in_dim3A_311 = arith.constant 60 : i32
        %broadcast_in_dim3A_312 = vector.broadcast %broadcast_in_dim3A_311 : i32 to vector<16xi32>
        %gather3A_313 = tpu.vector_load_idx %arg11[%broadcast_in_dim3A_312, %and3A_129] : memref<64x1024xf32, #tpu.memory_space<vmem>>[vector<16xi32>, vector<16xi32>], vector<16xf32>,
        tpu.vector_store_idx %arg12[%add3A_131, %broadcast_in_dim3A_312], %gather3A_313 : memref<96x128xf32, #tpu.memory_space<vmem>>[vector<16xi32>, vector<16xi32>], vector<16xf32>,
        %broadcast_in_dim3A_314 = arith.constant 61 : i32
        %broadcast_in_dim3A_315 = vector.broadcast %broadcast_in_dim3A_314 : i32 to vector<16xi32>
        %gather3A_316 = tpu.vector_load_idx %arg11[%broadcast_in_dim3A_315, %and3A_129] : memref<64x1024xf32, #tpu.memory_space<vmem>>[vector<16xi32>, vector<16xi32>], vector<16xf32>,
        tpu.vector_store_idx %arg12[%add3A_131, %broadcast_in_dim3A_315], %gather3A_316 : memref<96x128xf32, #tpu.memory_space<vmem>>[vector<16xi32>, vector<16xi32>], vector<16xf32>,
        %broadcast_in_dim3A_317 = arith.constant 62 : i32
        %broadcast_in_dim3A_318 = vector.broadcast %broadcast_in_dim3A_317 : i32 to vector<16xi32>
        %gather3A_319 = tpu.vector_load_idx %arg11[%broadcast_in_dim3A_318, %and3A_129] : memref<64x1024xf32, #tpu.memory_space<vmem>>[vector<16xi32>, vector<16xi32>], vector<16xf32>,
        tpu.vector_store_idx %arg12[%add3A_131, %broadcast_in_dim3A_318], %gather3A_319 : memref<96x128xf32, #tpu.memory_space<vmem>>[vector<16xi32>, vector<16xi32>], vector<16xf32>,
        %broadcast_in_dim3A_320 = arith.constant 63 : i32
        %broadcast_in_dim3A_321 = vector.broadcast %broadcast_in_dim3A_320 : i32 to vector<16xi32>
        %gather3A_322 = tpu.vector_load_idx %arg11[%broadcast_in_dim3A_321, %and3A_129] : memref<64x1024xf32, #tpu.memory_space<vmem>>[vector<16xi32>, vector<16xi32>], vector<16xf32>,
        tpu.vector_store_idx %arg12[%add3A_131, %broadcast_in_dim3A_321], %gather3A_322 : memref<96x128xf32, #tpu.memory_space<vmem>>[vector<16xi32>, vector<16xi32>], vector<16xf32>,
      }
      %gt3A = arith.constant 0 : i32
      %gt3A_114 = arith.cmpi sgt, %sub3A_54, %gt3A : i32
      %convert_element_type3A_115 = arith.extui %gt3A_114 : i1 to i32
      %cond3A_116 = arith.constant 0 : i32
      %cond3A_117 = arith.cmpi ne, %convert_element_type3A_115, %cond3A_116 : i32
      scf.if %cond3A_117 {
        %dma_start3A = arith.constant 0 : i32
        %dma_start3A_119 = arith.constant 0 : i32
        %dma_start3A_120 = tpu.memref_slice %arg7[%dma_start3A, %dma_start3A_119] : memref<24584x128xf32, #tpu.memory_space<hbm>> -> memref<24584x128xf32, #tpu.memory_space<hbm>>
        tpu.enqueue_indirect_dma source(%arg12 : memref<96x128xf32, #tpu.memory_space<vmem>>) target(%dma_start3A_120 : memref<24584x128xf32, #tpu.memory_space<hbm>>) offsets(%arg13 : memref<96xi32, #tpu.memory_space<vmem>>) semaphore(%arg15 : memref<!tpu.dma_semaphore, #tpu.memory_space<semaphore_mem>>)
        %dma_wait3A = arith.constant 0 : i32
        %dma_wait3A_121 = arith.constant 0 : i32
        %dma_wait3A_122 = tpu.memref_slice %arg7[%dma_wait3A, %dma_wait3A_121] : memref<24584x128xf32, #tpu.memory_space<hbm>> -> memref<24584x128xf32, #tpu.memory_space<hbm>>
        tpu.wait_indirect_dma semaphore(%arg15 : memref<!tpu.dma_semaphore, #tpu.memory_space<semaphore_mem>>) src(%arg12 : memref<96x128xf32, #tpu.memory_space<vmem>>) dst(%dma_wait3A_122 : memref<24584x128xf32, #tpu.memory_space<hbm>>)
      } else {
      }
      %scan3A_118 = arith.constant 0 : i32
      scf.yield %scan3A_118 : i32
    }
    %scan3A_30 = arith.constant 32 : i32
    return
  }
}

module attributes {stable_mosaic.version = 14 : i64} {
  func.func @_tc_loss_body(%arg0: i32, %arg1: memref<256x64xf32, #tpu.memory_space<vmem>>, %arg2: memref<256x64xf32, #tpu.memory_space<vmem>>, %arg3: memref<256x1xi32, #tpu.memory_space<vmem>>, %arg4: memref<1x1x8192xi32, #tpu.memory_space<vmem>>, %arg5: memref<8192x64xf32, #tpu.memory_space<vmem>>, %arg6: memref<1x2xf32, #tpu.memory_space<vmem>>) attributes {dimension_semantics = [#tpu.dimension_semantics<arbitrary>], iteration_bounds = array<i64: 64>, scalar_prefetch = 0 : i64, scratch_operands = 0 : i64, tpu.core_type = #tpu.core_type<tc>, window_params = [{transform_indices = @transform_0, window_bounds = array<i64: 256, 64>}, {transform_indices = @transform_1, window_bounds = array<i64: 256, 64>}, {transform_indices = @transform_2, window_bounds = array<i64: 256, 1>}, {pipeline_mode = #tpu.pipeline_mode<synchronous>, transform_indices = @transform_3, window_bounds = array<i64: 1, 1, 8192>}, {pipeline_mode = #tpu.pipeline_mode<synchronous>, transform_indices = @transform_4, window_bounds = array<i64: 8192, 64>}, {pipeline_mode = #tpu.pipeline_mode<synchronous>, transform_indices = @transform_5, window_bounds = array<i64: 1, 2>}]} {
    %get3A = arith.constant 0 : index
    %get3A_0 = arith.constant 0 : index
    %get3A_1 = vector.load %arg1[%get3A, %get3A_0] : memref<256x64xf32, #tpu.memory_space<vmem>>, vector<256x64xf32>
    %get3A_2 = arith.constant 0 : index
    %get3A_3 = arith.constant 0 : index
    %get3A_4 = vector.load %arg5[%get3A_2, %get3A_3] : memref<8192x64xf32, #tpu.memory_space<vmem>>, vector<8192x64xf32>
    %dot_general3A = arith.constant dense<0.000000e+00> : vector<256x8192xf32>
    %dot_general3A_5 = tpu.matmul %get3A_1, %get3A_4, %dot_general3A {dimension_numbers = #tpu.dot_dimension_numbers<[1], [1], [0], [0], [0, 0, 1, 0], [], []>, transpose_lhs_hint = false} : vector<256x64xf32>, vector<8192x64xf32>, vector<256x8192xf32> -> vector<256x8192xf32>
    %get3A_6 = arith.constant 0 : index
    %get3A_7 = arith.constant 0 : index
    %get3A_8 = vector.load %arg3[%get3A_6, %get3A_7] : memref<256x1xi32, #tpu.memory_space<vmem>>, vector<256x1xi32>
    %get3A_9 = arith.constant 0 : index
    %get3A_10 = arith.constant 0 : index
    %get3A_11 = arith.constant 0 : index
    %get3A_12 = vector.load %arg4[%get3A_9, %get3A_10, %get3A_11] : memref<1x1x8192xi32, #tpu.memory_space<vmem>>, vector<1x1x8192xi32>
    %get3A_13 = vector.shape_cast %get3A_12 : vector<1x1x8192xi32> to vector<1x8192xi32>
    %eq3A = vector.broadcast %get3A_13 : vector<1x8192xi32> to vector<256x8192xi32>
    %eq3A_14 = vector.broadcast %get3A_8 : vector<256x1xi32> to vector<256x8192xi32>
    %eq3A_15 = arith.cmpi eq, %eq3A, %eq3A_14 : vector<256x8192xi32>
    %jit3A = arith.constant -1.000000e+09 : f32
    %broadcast_in_dim3A = vector.broadcast %jit3A : f32 to vector<256x8192xf32>
    %select_n3A = arith.select %eq3A_15, %broadcast_in_dim3A, %dot_general3A_5 : vector<256x8192xi1>, vector<256x8192xf32>
    %get3A_16 = arith.constant 0 : index
    %get3A_17 = arith.constant 0 : index
    %get3A_18 = vector.load %arg2[%get3A_16, %get3A_17] : memref<256x64xf32, #tpu.memory_space<vmem>>, vector<256x64xf32>
    %mul3A = arith.mulf %get3A_1, %get3A_18 : vector<256x64xf32>
    %reduce_sum3A = arith.constant dense<0.000000e+00> : vector<256xf32>
    %reduce_sum3A_19 = vector.multi_reduction <add>, %mul3A, %reduce_sum3A [1] : vector<256x64xf32> to vector<256xf32>
    %broadcast_in_dim3A_20 = vector.shape_cast %reduce_sum3A_19 : vector<256xf32> to vector<256x1xf32>
    %exp3A = math.exp %select_n3A : vector<256x8192xf32>
    %reduce_sum3A_21 = arith.constant dense<0.000000e+00> : vector<256xf32>
    %reduce_sum3A_22 = vector.multi_reduction <add>, %exp3A, %reduce_sum3A_21 [1] : vector<256x8192xf32> to vector<256xf32>
    %broadcast_in_dim3A_23 = vector.shape_cast %reduce_sum3A_22 : vector<256xf32> to vector<256x1xf32>
    %exp3A_24 = math.exp %broadcast_in_dim3A_20 : vector<256x1xf32>
    %add3A = arith.addf %broadcast_in_dim3A_23, %exp3A_24 : vector<256x1xf32>
    %log3A = math.log %add3A : vector<256x1xf32>
    %sub3A = arith.subf %log3A, %broadcast_in_dim3A_20 : vector<256x1xf32>
    %ne3A = arith.constant -100 : i32
    %ne3A_25 = vector.broadcast %ne3A : i32 to vector<256x1xi32>
    %ne3A_26 = arith.cmpi ne, %get3A_8, %ne3A_25 : vector<256x1xi32>
    %jit3A_27 = arith.constant 0.000000e+00 : f32
    %broadcast_in_dim3A_28 = vector.broadcast %jit3A_27 : f32 to vector<256x1xf32>
    %select_n3A_29 = arith.select %ne3A_26, %sub3A, %broadcast_in_dim3A_28 : vector<256x1xi1>, vector<256x1xf32>
    %reduce_sum3A_30 = vector.shape_cast %select_n3A_29 : vector<256x1xf32> to vector<1x256x1xf32>
    %reduce_sum3A_31 = arith.constant dense<0.000000e+00> : vector<1xf32>
    %reduce_sum3A_32 = vector.multi_reduction <add>, %reduce_sum3A_30, %reduce_sum3A_31 [1, 2] : vector<1x256x1xf32> to vector<1xf32>
    %reduce_sum3A_33 = vector.shape_cast %reduce_sum3A_32 : vector<1xf32> to vector<1x1x1xf32>
    %reduce_sum3A_34 = vector.extract %reduce_sum3A_33[0, 0, 0] : f32 from vector<1x1x1xf32>
    %broadcast_in_dim3A_35 = vector.broadcast %reduce_sum3A_34 : f32 to vector<1x1xf32>
    %convert_element_type3A = arith.extui %ne3A_26 : vector<256x1xi1> to vector<256x1xi32>
    %convert_element_type3A_36 = arith.sitofp %convert_element_type3A : vector<256x1xi32> to vector<256x1xf32>
    %reduce_sum3A_37 = vector.shape_cast %convert_element_type3A_36 : vector<256x1xf32> to vector<1x256x1xf32>
    %reduce_sum3A_38 = arith.constant dense<0.000000e+00> : vector<1xf32>
    %reduce_sum3A_39 = vector.multi_reduction <add>, %reduce_sum3A_37, %reduce_sum3A_38 [1, 2] : vector<1x256x1xf32> to vector<1xf32>
    %reduce_sum3A_40 = vector.shape_cast %reduce_sum3A_39 : vector<1xf32> to vector<1x1x1xf32>
    %reduce_sum3A_41 = vector.extract %reduce_sum3A_40[0, 0, 0] : f32 from vector<1x1x1xf32>
    %broadcast_in_dim3A_42 = vector.broadcast %reduce_sum3A_41 : f32 to vector<1x1xf32>
    %concatenate3A = tpu.concatenate %broadcast_in_dim3A_35, %broadcast_in_dim3A_42 in 1 : vector<1x1xf32>, vector<1x1xf32> -> vector<1x2xf32>
    %eq3A_43 = arith.constant 0 : i32
    %eq3A_44 = arith.cmpi eq, %arg0, %eq3A_43 : i32
    %convert_element_type3A_45 = arith.extui %eq3A_44 : i1 to i32
    %cond3A = arith.constant 0 : i32
    %cond3A_46 = arith.cmpi ne, %convert_element_type3A_45, %cond3A : i32
    scf.if %cond3A_46 {
      %broadcast_in_dim3A_53 = arith.constant 0.000000e+00 : f32
      %broadcast_in_dim3A_54 = vector.broadcast %broadcast_in_dim3A_53 : f32 to vector<1x2xf32>
      %swap3A_55 = arith.constant 0 : index
      %swap3A_56 = arith.constant 0 : index
      %swap3A_57 = vector.load %arg6[%swap3A_55, %swap3A_56] : memref<1x2xf32, #tpu.memory_space<vmem>>, vector<1x2xf32>
      tpu.vector_store %arg6[%swap3A_55, %swap3A_56], %broadcast_in_dim3A_54 {strides = array<i32>} : memref<1x2xf32, #tpu.memory_space<vmem>>, vector<1x2xf32>,
    } else {
    }
    %get3A_47 = arith.constant 0 : index
    %get3A_48 = arith.constant 0 : index
    %get3A_49 = vector.load %arg6[%get3A_47, %get3A_48] : memref<1x2xf32, #tpu.memory_space<vmem>>, vector<1x2xf32>
    %add3A_50 = arith.addf %get3A_49, %concatenate3A : vector<1x2xf32>
    %swap3A = arith.constant 0 : index
    %swap3A_51 = arith.constant 0 : index
    %swap3A_52 = vector.load %arg6[%swap3A, %swap3A_51] : memref<1x2xf32, #tpu.memory_space<vmem>>, vector<1x2xf32>
    tpu.vector_store %arg6[%swap3A, %swap3A_51], %add3A_50 {strides = array<i32>} : memref<1x2xf32, #tpu.memory_space<vmem>>, vector<1x2xf32>,
    return
  }
  func.func @transform_0(%arg0: i32) -> (i32, i32) {
    %c0_i32 = arith.constant 0 : i32
    %c0_i32_0 = arith.constant 0 : i32
    return %arg0, %c0_i32 : i32, i32
  }
  func.func @transform_1(%arg0: i32) -> (i32, i32) {
    %c0_i32 = arith.constant 0 : i32
    %c0_i32_0 = arith.constant 0 : i32
    return %arg0, %c0_i32 : i32, i32
  }
  func.func @transform_2(%arg0: i32) -> (i32, i32) {
    %c0_i32 = arith.constant 0 : i32
    %c0_i32_0 = arith.constant 0 : i32
    return %arg0, %c0_i32 : i32, i32
  }
  func.func @transform_3(%arg0: i32) -> (i32, i32, i32) {
    %c0_i32 = arith.constant 0 : i32
    %c0_i32_0 = arith.constant 0 : i32
    %c0_i32_1 = arith.constant 0 : i32
    %c0_i32_2 = arith.constant 0 : i32
    return %c0_i32, %c0_i32_0, %c0_i32_1 : i32, i32, i32
  }
  func.func @transform_4(%arg0: i32) -> (i32, i32) {
    %c0_i32 = arith.constant 0 : i32
    %c0_i32_0 = arith.constant 0 : i32
    %c0_i32_1 = arith.constant 0 : i32
    return %c0_i32, %c0_i32_0 : i32, i32
  }
  func.func @transform_5(%arg0: i32) -> (i32, i32) {
    %c0_i32 = arith.constant 0 : i32
    %c0_i32_0 = arith.constant 0 : i32
    %c0_i32_1 = arith.constant 0 : i32
    return %c0_i32, %c0_i32_0 : i32, i32
  }
}

</mosaic_0001>

<sc_bundles>
// kernel: gather_offload_async_start
scs
__scs_entry_jumppad:
0x0: {  	(pc) =	sbr.rel $0x88, $3  }
0x1: {  	(tag) =	ssettag $0x0;
	lr =	simm.s32 $0x1  }
0x2: {  	[smem:$0x3F9D] =	sst lr;
	_ =	strace $0xD0000000  }
0x3: {  	_ = 	snop  }
0x4: {  	_ = 	snop  }
0x5: {  	_ = 	snop  }
0x6: {  	_ = 	snop  }
0x7: {  	_ = 	snop  }
__scs_overlays_trampoline_lowered:
0x8: {  	[smem:$0x3FAC] =	sst s0  }
0x9: {  	[smem:$0x3FAD] =	sst s1  }
0xa: {  	[smem:$0x3FAE] =	sst s2  }
0xb: {  	[smem:$0x3FAF] =	sst s3  }
0xc: {  	[smem:$0x3FB0] =	sst s4  }
0xd: {  	[smem:$0x3FB1] =	sst s5  }
0xe: {  	[smem:$0x3FB2] =	sst s6  }
0xf: {  	[smem:$0x3FB3] =	sst s7  }
0x10: {  	[smem:$0x3FB4] =	sst s8  }
0x11: {  	[smem:$0x3FB5] =	sst s9;
	s0 =	simm.s32 @!p0 $0x0  }
0x12: {  	s1 =	sld [smem:$0x3F9B];
	s0 =	simm.s32 @p0 $0x1  }
0x13: {  	[smem:$0x3FB6] =	sst s0;
	s0 =	simm.s32 @!p1 $0x0  }
0x14: {  	s2 =	sld [smem:$0x3F9A];
	s0 =	simm.s32 @p1 $0x1  }
0x15: {  	[smem:$0x3FB7] =	sst s0;
	s0 =	simm.s32 @!p2 $0x0  }
0x16: {  	s3 =	sld [smem:$0x3FDB];
	s0 =	simm.s32 @p2 $0x1  }
0x17: {  	s4 =	simm.s32 $0x1BF5;
	[smem:$0x3FB9] =	sst s0  }
0x18: {  	s0 =	sld [smem:$0x3F9C];
	_ =	swait.ge [sflag:s4], $0x0  }
0x19: {  	s7 =	sld [smem:$0x3F9D]  }
0x1a: {  	s8 =	sadd.s32 $0xFFFFE003, lr  }
0x1b: {  	s9 =	sadd.s32 $0xFFFFFEF7, lr;
	s5 =	simm.s32 $0xFFFFFFFF;
	p2 =	slt.u32 s8, $0xFFFFF086  }
0x1c: {  	p1 =	slt.u32 s9, $0xF7A;
	s5 =	simm.s32 @!p2 $0x0  }
0x1d: {  	s5 =	simm.s32 @p1 $0x1;
	p0 =	seq.s32 s7, s2  }
0x1e: {  	s7 =	smul.u32 @!p0 $0xF7A, s2;
	p2 =	seq.s32 @!p0 s5, $0x0  }
0x1f: {  	s9 =	smul.u32 $0xF7A, s1;
	s8 =	simm.s32 @!p0 $0x1BF5;
	p2 =	por !p2, p0  }
0x20: {  	[sflag:s8] =	ssyncset.s32 @!p0 $0xFFFFF086;
	s6 =	sadd.s32 @!p0 s3, s7;
	s7 =	simm.s32 @!p0 $0x108  }
0x21: {  	s3 =	sadd.s32 s3, s9;
	s6 =	sadd.s32 @!p0 $0x88, s6;
	s7 =	simm.s32 @p2 $0x1082  }
0x22: {  	[simem:s7], [sflag:s8] =	dma.local @!p0 [hbm:s6], $0xF7A  }
0x23: {  	s9 =	sor.u32 $0xD0000000, s2;
	s6 =	simm.s32 $0x108;
	_ =	swait.ge @!p0 [sflag:s8], $0x0  }
0x24: {  	s3 =	sadd.s32 $0x88, s3;
	s6 =	simm.s32 @!p1 $0x1082;
	[sflag:s4] =	ssyncset.s32 $0xFFFFF086  }
0x25: {  	[simem:s6], [sflag:s4] =	dma.local [hbm:s3], $0xF7A  }
0x26: {  	[smem:$0x3F9D] =	sst s1;
	(tag) =	ssettag s2;
	_ =	strace s9  }
0x27: {  	s1 =	sld [smem:$0x3FAD]  }
0x28: {  	s2 =	sld [smem:$0x3FAE]  }
0x29: {  	s4 =	sld [smem:$0x3FB0]  }
0x2a: {  	p0 =	seq.s32 s5, $0x0;
	s5 =	sld [smem:$0x3FB1]  }
0x2b: {  	s6 =	sld [smem:$0x3FB2]  }
0x2c: {  	s7 =	sld [smem:$0x3FB3]  }
0x2d: {  	s3 =	simm.s32 $0x108;
	s8 =	sld [smem:$0x3FB4]  }
0x2e: {  	s3 =	simm.s32 @!p0 $0x1082;
	s9 =	sld [smem:$0x3FB5]  }
0x2f: {  	lr =	sadd.s32 s0, s3;
	s0 =	sld [smem:$0x3FAC]  }
0x30: {  	s3 =	sld [smem:$0x3FAF]  }
0x31: {  	[smem:$0x3FB8] =	sst s10  }
0x32: {  	s10 =	sld [smem:$0x3FB6];
	_ =	sdelay $0x3  }
0x33: {  	p0 =	seq.s32 s10, $0x1;
	s10 =	sld [smem:$0x3FB8];
	_ =	sdelay $0x3  }
0x34: {  	[smem:$0x3FB8] =	sst s10  }
0x35: {  	s10 =	sld [smem:$0x3FB7];
	_ =	sdelay $0x3  }
0x36: {  	p1 =	seq.s32 s10, $0x1;
	s10 =	sld [smem:$0x3FB8];
	_ =	sdelay $0x3  }
0x37: {  	[smem:$0x3FB8] =	sst s10  }
0x38: {  	s10 =	sld [smem:$0x3FB9]  }
0x39: {  	_ = 	snop;
	(pc) =	sbr.ind lr, $3  }
0x3a: {  	_ = 	snop  }
0x3b: {  	_ = 	snop  }
0x3c: {  	p2 =	seq.s32 s10, $0x1;
	s10 =	sld [smem:$0x3FB8]  }
0x3d: {  	_ =	shalt  }
0x3e: {  	_ =	shalt  }
0x3f: {  	_ =	shalt  }
0x40: {  	_ =	shalt  }
0x41: {  	_ =	shalt  }
0x42: {  	_ =	shalt  }
0x43: {  	_ =	shalt  }
0x44: {  	_ =	shalt  }
0x45: {  	_ =	shalt  }
0x46: {  	_ =	shalt  }
0x47: {  	_ =	shalt  }
0x48: {  	_ =	shalt  }
0x49: {  	_ =	shalt  }
0x4a: {  	_ =	shalt  }
0x4b: {  	_ =	shalt  }
0x4c: {  	_ =	shalt  }
0x4d: {  	_ =	shalt  }
0x4e: {  	_ =	shalt  }
0x4f: {  	_ =	shalt  }
0x50: {  	_ =	shalt  }
0x51: {  	_ =	shalt  }
0x52: {  	_ =	shalt  }
0x53: {  	_ =	shalt  }
0x54: {  	_ =	shalt  }
0x55: {  	_ =	shalt  }
0x56: {  	_ =	shalt  }
0x57: {  	_ =	shalt  }
0x58: {  	_ =	shalt  }
0x59: {  	_ =	shalt  }
0x5a: {  	_ =	shalt  }
0x5b: {  	_ =	shalt  }
0x5c: {  	_ =	shalt  }
0x5d: {  	_ =	shalt  }
0x5e: {  	_ =	shalt  }
0x5f: {  	_ =	shalt  }
0x60: {  	_ =	shalt  }
0x61: {  	_ =	shalt  }
0x62: {  	_ =	shalt  }
0x63: {  	_ =	shalt  }
0x64: {  	_ =	shalt  }
0x65: {  	_ =	shalt  }
0x66: {  	_ =	shalt  }
0x67: {  	_ =	shalt  }
0x68: {  	_ =	shalt  }
0x69: {  	_ =	shalt  }
0x6a: {  	_ =	shalt  }
0x6b: {  	_ =	shalt  }
0x6c: {  	_ =	shalt  }
0x6d: {  	_ =	shalt  }
0x6e: {  	_ =	shalt  }
0x6f: {  	_ =	shalt  }
0x70: {  	_ =	shalt  }
0x71: {  	_ =	shalt  }
0x72: {  	_ =	shalt  }
0x73: {  	_ =	shalt  }
0x74: {  	_ =	shalt  }
0x75: {  	_ =	shalt  }
0x76: {  	_ =	shalt  }
0x77: {  	_ =	shalt  }
0x78: {  	_ =	shalt  }
0x79: {  	_ =	shalt  }
0x7a: {  	_ =	shalt  }
0x7b: {  	_ =	shalt  }
0x7c: {  	_ =	shalt  }
0x7d: {  	_ =	shalt  }
0x7e: {  	_ =	shalt  }
0x7f: {  	_ =	shalt  }
0x80: {  	_ =	shalt  }
0x81: {  	_ =	shalt  }
0x82: {  	_ =	shalt  }
0x83: {  	_ =	shalt  }
0x84: {  	_ =	shalt  }
0x85: {  	_ =	shalt  }
0x86: {  	_ =	shalt  }
0x87: {  	_ =	shalt  }
.Lfunc_end0:
.L_simem_size_0:
called_computation_lowered:
.L_overlay_start_0:
0x88: {  	s2 =	sld [smem:$0x3FD9]  }
0x89: {  	s3 =	sld [smem:$0x3FFE];
	_ =	sdelay $0x1  }
0x8a: {  	s1 =	srdreg.scid  }
0x8b: {  	s0 =	sand.u32 $0x1, s1  }
0x8c: {  	s16 =	sshll.u32 s0, $0xA;
	s2 =	sadd.s32 s3, s2  }
0x8d: {  	s2 =	sadd.s32 s2, s16  }
0x8e: {  	[smem:$0x3FC4] =	sst s2  }
0x8f: {  	_ = 	snop  }
0x90: {  	(tm) =	ssettm $0x1  }
0x91: {  	s17 =	sld [smem:$0x3FFB];
	_ =	sdelay $0x3  }
0x92: {  	_ =	strace s17  }
0x93: {  	s2 =	sld [smem:$0x3FFC];
	_ =	sdelay $0x3  }
0x94: {  	_ =	strace s2  }
0x95: {  	s2 =	sld [smem:$0x3FFD];
	_ =	sdelay $0x3  }
0x96: {  	_ =	strace s2  }
0x97: {  	_ =	strace $0x8FFFFFFF  }
0x98: {  	s18 =	sld [smem:$0x3FDB];
	_ =	sdelay $0x1  }
0x99: {  	s19 =	simm.s32 $_scs_section_size  }
0x9a: {  	s4 =	simm.s32 $_size__tile_overlayer_lowered;
	s5 =	simm.s32 $_tile_overlayer_lowered  }
0x9b: {  	s22 =	simm.s32 $0x1BFF;
	s21 =	sshll.u32 s5, $0x1;
	s2 =	sadd.s32 s19, s18  }
0x9c: {  	s6 =	simm.s32 $0x0;
	s20 =	sshll.u32 s4, $0x1;
	s4 =	sadd.s32 s21, s2  }
0x9d: {  	[timem:s6], [sflag:s22] =	dma.local [hbm:s4], s20  }
0x9e: {  	_ =	swait.ge [sflag:s22], s20  }
0x9f: {  	s3 =	ssub.s32 $0x0, s20;
	[sflag:s22] =	ssyncset.done $0x0  }
0xa0: {  	[sflag:s22] =	ssyncadd.s32 s3;
	_ =	sdelay $0x1  }
0xa1: {  	s23 =	simm.s32 $0x1B8B  }
0xa2: {  	_ =	swait.ge [sflag:s23], $0x1  }
0xa3: {  	[sflag:s23] =	ssyncset.done $0x0  }
0xa4: {  	s25 =	simm.s32 $0x1B8E;
	s24 =	sld [smem:$0x3FFE];
	[sflag:s23] =	ssyncadd.s32 $0xFFFFFFFF  }
0xa5: {  	s26 =	simm.s32 $execute0_lowered;
	[smem:$0x3FD2] =	sst s25  }
0xa6: {  	s4 =	sshll.u32 s26, $0x1;
	_ =	strace $0x80000046;
	[dreg:$0x1] =	wrdreg $0xFFFFFFFF  }
0xa7: {  	s28 =	simm.s32 $_size_execute0_lowered;
	s2 =	sadd.s32 s2, s4;
	[dreg:$0x0] =	wrdreg $0x0  }
0xa8: {  	s4 =	sshll.u32 s28, $0x1;
	[dreg:$0x2] =	wrdreg s2  }
0xa9: {  	[dreg:$0x3] =	wrdreg s4  }
0xaa: {  	[dreg:$0x4] =	wrdreg $0xC0  }
0xab: {  	_ =	task [dreg:s6], $0x5FFFF  }
0xac: {  	[dreg:$0x1] =	wrdreg $0xFFFFFFFF  }
0xad: {  	[dreg:$0x0] =	wrdreg $0x60  }
0xae: {  	[dreg:$0x2] =	wrdreg s24  }
0xaf: {  	[dreg:$0x3] =	wrdreg $0x9  }
0xb0: {  	_ =	task.clear_ibuf [dreg:s6], $0x4FFFF;
	_ =	strace $0x90000046  }
0xb1: {  	s29 =	simm.s32 $0x9;
	_ =	strace $0x80000048  }
0xb2: {  	_ =	swait.ge [sflag:s29], $0x1  }
0xb3: {  	[sflag:s29] =	ssyncadd.s32 $0xFFFFFFFF  }
0xb4: {  	_ =	strace $0x90000048  }
0xb5: {  	_ =	sfence  }
0xb6: {  	s30 =	sld [smem:$0x0];
	_ =	sdelay $0x2  }
0xb7: {  	s31 =	sshll.u32 s1, $0xD;
	s1 =	sshrl.u32 s1, $0x2  }
0xb8: {  	s3 =	sand.u32 $0x4000, s31;
	s1 =	sadd.s32 s1, s30  }
0xb9: {  	s0 =	sor.u32 s3, s0;
	s1 =	sshll.u32 s1, $0x11  }
0xba: {  	s0 =	sor.u32 s1, s0  }
0xbb: {  	s0 =	sadd.s32 $0x8F2B, s0  }
0xbc: {  	[sflag:s0] =	ssyncadd.remote.s32 $0x1  }
0xbd: {  	_ =	sfence.sel $0xFFFF  }
0xbe: {  	[dreg:$0x0] =	wrdreg $0xFFFFFFFF;
	(pc) =	sbr.abs _section_cstart, $3  }
0xbf: {  	[dreg:$0x1] =	wrdreg $0xFFFFFFFF  }
0xc0: {  	_ =	task.clear_ibuf [dreg:s6], $0x2FFFF;
	_ =	strace $0x9FFFFFFF  }
0xc1: {  	(tm) =	ssettm $0x7FFFFFFF  }
tec
execute0_lowered:
.L_overlay_start_1:
0x0: {  	(tag) =	ssettag $0x1  }
0x1: {  	s0 =	srdreg.scid;
	s5 =	rddreg [dreg:$0x0]  }
0x2: {  	s1 =	stileid.u32;
	s6 =	simm.s32 $0x1;
	s9 =	simm.s32 $0x1  }
0x3: {  	s10 =	simm.s32 $0x3;
	s13 =	simm.s32 $0x0;
	s2 =	sshll.u32 s0, $0x9  }
0x4: {  	s12 =	simm.s32 $0x0;
	s3 =	sshll.u32 s1, $0xA;
	s2 =	sand.u32 $0x200, s2  }
0x5: {  	s0 =	rddreg [dreg:$0x1];
	_ =	strace $0x80000047;
	s2 =	sor.u32 s3, s2  }
0x6: {  	s4 =	sadd.s32 $0x1400, s5;
	[sflag:s6] =	ssyncpa.u1 $0x0;
	s8 =	ssub.s32 $0x6000, s2  }
.Ltmp0:
0x7: {  	s3 =	sadd.s32 $0x800, s5;
	s7 =	sand.u32 $0x3E00, s8;
	(pc) =	sbr.rel .LBB2_1-.Ltmp0, $4  }
0x8: {  	s5 =	sadd.s32 $0x2E00, s5;
	s11 =	smov.u32 s2;
	p0 =	sne.s32 s7, $0x0  }
0x9: {  	s8 =	sshrl.u32 s8, $0xE;
	s7 =	simm.s32 $0x2;
	s9 =	simm.s32 @!p0 $0x0  }
0xa: {  	[sflag:s7] =	ssyncpa.u1 $0x0;
	p0 =	por $0x0, $0x0;
	s8 =	sadd.s32 s9, s8  }
0xb: {  	vm0 =	vmmov $0xffff;
	[sflag:s10] =	ssyncpa.u1 $0x0;
	s10 =	simm.s32 $0x0;
	s9 =	sadd.s32 $0x1, s8  }
.LBB2_4:
0xc: {  	v2 =	vnsel vm1, $0x0, v2  }
0xd: {  	vm1 =	vgt.s32 v0, $0x0;
	v2 =	vmin.u32 v2, $0x5FFF  }
0xe: {  	v0 =	vnsel vm1, $0x0, v0  }
0xf: {  	v0 =	vmin.u32 v0, $0x5FFF  }
0x10: {  	[tilespmem:s15], [sflag:$0x1] =	stream.indirect_vreg.gather [hbm4b:s3+s10], $0x1, v1, vm0, $0x4038;
	[tilespmem:$0x800] =	vst v63  }
0x11: {  	(ifvalue) =	ssetifvalue $0x7FFFFFFF  }
0x12: {  	[tilespmem:s16], [sflag:$0x1] =	stream.indirect_vreg.gather [hbm4b:s3+s10], $0x1, v2, vm0, $0x4038;
	[tilespmem:$0x800] =	vst v63  }
0x13: {  	s29 =	sadd.s32 $0x10, s16;
	(ifvalue) =	ssetifvalue $0x7FFFFFFF  }
0x14: {  	[tilespmem:s29], [sflag:$0x1] =	stream.indirect_vreg.gather [hbm4b:s3+s10], $0x1, v0, vm0, $0x4038;
	[tilespmem:$0x800] =	vst v63  }
0x15: {  	_ =	swait.ge [sflag:s6], $0x200  }
0x16: {  	s30 =	sshrl.u32 s13, $0x3;
	[sflag:s6] =	ssyncset.done $0x0  }
0x17: {  	s31 =	sand.u32 $0x7, s13;
	s15 =	sadd.s32 s5, s30;
	[sflag:s6] =	ssyncadd.s32 $0xFFFFFE00  }
0x18: {  	[hbm4b:s15+s31] =	stream.linear.scatter [tilespmem:s14], [sflag:$0x3], $0x200, $0x38;
	[tilespmem:$0x800] =	vst v63  }
.LBB2_5:
0x19: {  	s15 =	sadd.s32 $0x4000, s11  }
0x1a: {  	p2 =	sgt.s32 s15, $0x5FFF  }
0x1b: {  	s15 =	smov.u32 @p2 s2;
	p2 =	sne.s32 s12, s9  }
.Ltmp1:
0x1c: {  	p1 =	slt.u32 s12, $0x2;
	(pc) =	sbr.rel @!p2 .LBB2_6-.Ltmp1, $4  }
0x1d: {  	s14 =	simm.s32 @!p1 $0x3  }
0x1e: {  	s16 =	sadd.s32 $0x1, s12;
	_ =	swait.ge @!p1 [sflag:s14], $0x200  }
0x1f: {  	s13 =	smov.u32 s11;
	p0 =	por !p0, !p0;
	[sflag:s14] =	ssyncset.done @!p1 $0x0  }
0x20: {  	s12 =	smov.u32 s16;
	s11 =	smov.u32 s15;
	[sflag:s14] =	ssyncadd.s32 @!p1 $0xFFFFFE00  }
.LBB2_1:
0x21: {  	p1 =	sge.u32 s12, s8  }
0x22: {  	s14 =	sxor.u32 @!p1 $0xFFFFFFFF, s12  }
0x23: {  	s31 =	sadd.s32 $0xFFFFFFFF, s12;
	s15 =	sshrl.u32 @!p1 s11, $0x3;
	s14 =	sshll.u32 @!p1 s14, $0x9  }
0x24: {  	s16 =	sand.u32 @!p1 $0x7, s11;
	s15 =	sadd.s32 @!p1 s4, s15;
	s14 =	sand.u32 @!p1 $0x200, s14  }
0x25: {  	[tilespmem:s14], [sflag:$0x2] =	stream.linear.gather @!p1 [hbm4b:s15+s16], $0x200, $0x38;
	[tilespmem:$0x800] =	vst v63  }
0x26: {  	p1 =	sge.u32 s31, s8  }
.Ltmp2:
0x27: {  	_ = 	snop;
	(pc) =	sbr.rel @p1 .LBB2_5-.Ltmp2, $1  }
0x28: {  	_ =	sdelay $0x3  }
0x29: {  	s14 =	simm.s32 $0x1  }
0x2a: {  	_ =	swait.ge [sflag:s7], $0x200;
	s14 =	simm.s32 @!p0 $0x0  }
0x2b: {  	[sflag:s7] =	ssyncset.done $0x0;
	s14 =	sshll.u32 s14, $0x9  }
0x2c: {  	[sflag:s7] =	ssyncadd.s32 $0xFFFFFE00;
	(ifvalue) =	ssetifvalue $0x7FFFFFFF;
	v0 =	vld.msk [tilespmem:s14+$0x0 ss:$0x1], $0xffff;
	_ =	sdelay $0x4  }
0x2d: {  	s15 =	sadd.s32 $0x10, s14;
	vm1 =	vgt.s32 v0, $0x0  }
0x2e: {  	v2 =	vld.msk [tilespmem:s15+$0x0 ss:$0x1], $0xffff;
	v1 =	vnsel vm1, $0x0, v0  }
0x2f: {  	v1 =	vmin.u32 v1, $0x5FFF;
	_ =	sdelay $0x1  }
0x30: {  	s16 =	sshll.u32 s12, $0x9;
	s18 =	simm.s32 $0x20  }
0x31: {  	s16 =	sand.u32 $0x200, s16;
	s17 =	sadd.s32 $0x10, s15;
	s15 =	sor.u32 $0x400, s14  }
0x32: {  	s14 =	sor.u32 $0x400, s16;
	s16 =	sadd.s32 $0x10, s15;
	v0 =	vld.msk [tilespmem:s17+$0x0 ss:$0x1], $0xffff;
	vm1 =	vgt.s32 v2, $0x0;
	(ifvalue) =	ssetifvalue $0x7FFFFFFF  }
.LBB2_3:
0x33: {  	[tilespmem:s15], [sflag:$0x1] =	stream.indirect_vreg.gather [hbm4b:s3+s10], $0x1, v1, vm0, $0x4038;
	[tilespmem:$0x800] =	vst v63  }
0x34: {  	s18 =	sadd.s32 $0x10, s18  }
0x35: {  	v2 =	vnsel vm1, $0x0, v2;
	p1 =	slt.u32 s18, $0x1F0  }
.Ltmp3:
0x36: {  	s15 =	smov.u32 s16;
	v1 =	vmin.u32 v2, $0x5FFF;
	(pc) =	sbr.rel @p1 .LBB2_3-.Ltmp3, $3  }
0x37: {  	_ =	sdelay $0x1  }
0x38: {  	s17 =	sadd.s32 $0x10, s17  }
0x39: {  	vm1 =	vgt.s32 v0, $0x0;
	s16 =	sadd.s32 $0x10, s16;
	v2 =	vmov v0;
	(ifvalue) =	ssetifvalue $0x7FFFFFFF;
	v0 =	vld.msk [tilespmem:s17+$0x0 ss:$0x1], $0xffff  }
.Ltmp4:
0x3a: {  	_ = 	snop;
	(pc) =	sbr.rel .LBB2_4-.Ltmp4, $1  }
0x3b: {  	_ =	sdelay $0x3  }
.LBB2_6:
0x3c: {  	_ =	sfence.sel $0x180000  }
0x3d: {  	s2 =	simm.s32 $0x2;
	[bflag:$0x0] =	sbarrier.arrive $0xFFFF  }
0x3e: {  	s30 =	simm.s32 $0x3;
	[sflag:s2] =	ssyncpa.u1 $0x1  }
0x3f: {  	s31 =	simm.s32 $0x1;
	[sflag:s30] =	ssyncpa.u1 $0x1  }
0x40: {  	[sflag:s31] =	ssyncpa.u1 $0x1  }
0x41: {  	p0 =	sne.s32 s1, $0x0;
	_ =	strace $0x90000047  }
0x42: {  	s0 =	sadd.s32 @!p0 $0x100000, s0;
	[bflag:$0x2] =	sbarrier.arrive $0xFFFF  }
0x43: {  	[sflag:s0] =	ssyncadd.tile.s32 @!p0 $0x1;
	_ =	shalt  }
.Lfunc_end2:
_tile_overlayer_lowered:
.L_overlay_start_2:
0x44: {  	(tag) =	ssettag $0x2  }
0x45: {  	s0 =	rddreg [dreg:$0x0];
	s2 =	stileid.u32  }
0x46: {  	s1 =	rddreg [dreg:$0x1];
	p0 =	sne.s32 s2, $0x0  }
0x47: {  	s3 =	rddreg [dreg:$0x2];
	[bflag:$0x3] =	sbarrier.arrive $0xFFFF;
	s2 =	simm.s32 @!p0 $0x1C01  }
0x48: {  	[timem:s3], [sflag:s2] =	dma.local @!p0 [hbm:s0], s1  }
0x49: {  	s0 =	simm.s32 @!p0 $0x1  }
0x4a: {  	_ =	swait.ge @!p0 [sflag:s0], s1  }
0x4b: {  	s1 =	ssub.s32 @!p0 $0x0, s1;
	[sflag:s0] =	ssyncset.done @!p0 $0x0  }
0x4c: {  	[sflag:s0] =	ssyncadd.s32 @!p0 s1  }
0x4d: {  	[bflag:$0x3] =	sbarrier.arrive $0xFFFF  }
0x4e: {  	_ =	shalt  }

// kernel: kernel.4.cloned.1.call-start
scs
__scs_entry_jumppad:
0x0: {  	(pc) =	sbr.rel $0x88, $3  }
0x1: {  	(tag) =	ssettag $0x0;
	lr =	simm.s32 $0x1  }
0x2: {  	[smem:$0x3F9D] =	sst lr;
	_ =	strace $0xD0000000  }
0x3: {  	_ = 	snop  }
0x4: {  	_ = 	snop  }
0x5: {  	_ = 	snop  }
0x6: {  	_ = 	snop  }
0x7: {  	_ = 	snop  }
__scs_overlays_trampoline_lowered:
0x8: {  	[smem:$0x3FAC] =	sst s0  }
0x9: {  	[smem:$0x3FAD] =	sst s1  }
0xa: {  	[smem:$0x3FAE] =	sst s2  }
0xb: {  	[smem:$0x3FAF] =	sst s3  }
0xc: {  	[smem:$0x3FB0] =	sst s4  }
0xd: {  	[smem:$0x3FB1] =	sst s5  }
0xe: {  	[smem:$0x3FB2] =	sst s6  }
0xf: {  	[smem:$0x3FB3] =	sst s7  }
0x10: {  	[smem:$0x3FB4] =	sst s8  }
0x11: {  	[smem:$0x3FB5] =	sst s9;
	s0 =	simm.s32 @!p0 $0x0  }
0x12: {  	s1 =	sld [smem:$0x3F9B];
	s0 =	simm.s32 @p0 $0x1  }
0x13: {  	[smem:$0x3FB6] =	sst s0;
	s0 =	simm.s32 @!p1 $0x0  }
0x14: {  	s2 =	sld [smem:$0x3F9A];
	s0 =	simm.s32 @p1 $0x1  }
0x15: {  	[smem:$0x3FB7] =	sst s0;
	s0 =	simm.s32 @!p2 $0x0  }
0x16: {  	s3 =	sld [smem:$0x3FDB];
	s0 =	simm.s32 @p2 $0x1  }
0x17: {  	s4 =	simm.s32 $0x1BF5;
	[smem:$0x3FB9] =	sst s0  }
0x18: {  	s0 =	sld [smem:$0x3F9C];
	_ =	swait.ge [sflag:s4], $0x0  }
0x19: {  	s7 =	sld [smem:$0x3F9D]  }
0x1a: {  	s8 =	sadd.s32 $0xFFFFE003, lr  }
0x1b: {  	s9 =	sadd.s32 $0xFFFFFEF7, lr;
	s5 =	simm.s32 $0xFFFFFFFF;
	p2 =	slt.u32 s8, $0xFFFFF086  }
0x1c: {  	p1 =	slt.u32 s9, $0xF7A;
	s5 =	simm.s32 @!p2 $0x0  }
0x1d: {  	s5 =	simm.s32 @p1 $0x1;
	p0 =	seq.s32 s7, s2  }
0x1e: {  	s7 =	smul.u32 @!p0 $0xF7A, s2;
	p2 =	seq.s32 @!p0 s5, $0x0  }
0x1f: {  	s9 =	smul.u32 $0xF7A, s1;
	s8 =	simm.s32 @!p0 $0x1BF5;
	p2 =	por !p2, p0  }
0x20: {  	[sflag:s8] =	ssyncset.s32 @!p0 $0xFFFFF086;
	s6 =	sadd.s32 @!p0 s3, s7;
	s7 =	simm.s32 @!p0 $0x108  }
0x21: {  	s3 =	sadd.s32 s3, s9;
	s6 =	sadd.s32 @!p0 $0x88, s6;
	s7 =	simm.s32 @p2 $0x1082  }
0x22: {  	[simem:s7], [sflag:s8] =	dma.local @!p0 [hbm:s6], $0xF7A  }
0x23: {  	s9 =	sor.u32 $0xD0000000, s2;
	s6 =	simm.s32 $0x108;
	_ =	swait.ge @!p0 [sflag:s8], $0x0  }
0x24: {  	s3 =	sadd.s32 $0x88, s3;
	s6 =	simm.s32 @!p1 $0x1082;
	[sflag:s4] =	ssyncset.s32 $0xFFFFF086  }
0x25: {  	[simem:s6], [sflag:s4] =	dma.local [hbm:s3], $0xF7A  }
0x26: {  	[smem:$0x3F9D] =	sst s1;
	(tag) =	ssettag s2;
	_ =	strace s9  }
0x27: {  	s1 =	sld [smem:$0x3FAD]  }
0x28: {  	s2 =	sld [smem:$0x3FAE]  }
0x29: {  	s4 =	sld [smem:$0x3FB0]  }
0x2a: {  	p0 =	seq.s32 s5, $0x0;
	s5 =	sld [smem:$0x3FB1]  }
0x2b: {  	s6 =	sld [smem:$0x3FB2]  }
0x2c: {  	s7 =	sld [smem:$0x3FB3]  }
0x2d: {  	s3 =	simm.s32 $0x108;
	s8 =	sld [smem:$0x3FB4]  }
0x2e: {  	s3 =	simm.s32 @!p0 $0x1082;
	s9 =	sld [smem:$0x3FB5]  }
0x2f: {  	lr =	sadd.s32 s0, s3;
	s0 =	sld [smem:$0x3FAC]  }
0x30: {  	s3 =	sld [smem:$0x3FAF]  }
0x31: {  	[smem:$0x3FB8] =	sst s10  }
0x32: {  	s10 =	sld [smem:$0x3FB6];
	_ =	sdelay $0x3  }
0x33: {  	p0 =	seq.s32 s10, $0x1;
	s10 =	sld [smem:$0x3FB8];
	_ =	sdelay $0x3  }
0x34: {  	[smem:$0x3FB8] =	sst s10  }
0x35: {  	s10 =	sld [smem:$0x3FB7];
	_ =	sdelay $0x3  }
0x36: {  	p1 =	seq.s32 s10, $0x1;
	s10 =	sld [smem:$0x3FB8];
	_ =	sdelay $0x3  }
0x37: {  	[smem:$0x3FB8] =	sst s10  }
0x38: {  	s10 =	sld [smem:$0x3FB9]  }
0x39: {  	_ = 	snop;
	(pc) =	sbr.ind lr, $3  }
0x3a: {  	_ = 	snop  }
0x3b: {  	_ = 	snop  }
0x3c: {  	p2 =	seq.s32 s10, $0x1;
	s10 =	sld [smem:$0x3FB8]  }
0x3d: {  	_ =	shalt  }
0x3e: {  	_ =	shalt  }
0x3f: {  	_ =	shalt  }
0x40: {  	_ =	shalt  }
0x41: {  	_ =	shalt  }
0x42: {  	_ =	shalt  }
0x43: {  	_ =	shalt  }
0x44: {  	_ =	shalt  }
0x45: {  	_ =	shalt  }
0x46: {  	_ =	shalt  }
0x47: {  	_ =	shalt  }
0x48: {  	_ =	shalt  }
0x49: {  	_ =	shalt  }
0x4a: {  	_ =	shalt  }
0x4b: {  	_ =	shalt  }
0x4c: {  	_ =	shalt  }
0x4d: {  	_ =	shalt  }
0x4e: {  	_ =	shalt  }
0x4f: {  	_ =	shalt  }
0x50: {  	_ =	shalt  }
0x51: {  	_ =	shalt  }
0x52: {  	_ =	shalt  }
0x53: {  	_ =	shalt  }
0x54: {  	_ =	shalt  }
0x55: {  	_ =	shalt  }
0x56: {  	_ =	shalt  }
0x57: {  	_ =	shalt  }
0x58: {  	_ =	shalt  }
0x59: {  	_ =	shalt  }
0x5a: {  	_ =	shalt  }
0x5b: {  	_ =	shalt  }
0x5c: {  	_ =	shalt  }
0x5d: {  	_ =	shalt  }
0x5e: {  	_ =	shalt  }
0x5f: {  	_ =	shalt  }
0x60: {  	_ =	shalt  }
0x61: {  	_ =	shalt  }
0x62: {  	_ =	shalt  }
0x63: {  	_ =	shalt  }
0x64: {  	_ =	shalt  }
0x65: {  	_ =	shalt  }
0x66: {  	_ =	shalt  }
0x67: {  	_ =	shalt  }
0x68: {  	_ =	shalt  }
0x69: {  	_ =	shalt  }
0x6a: {  	_ =	shalt  }
0x6b: {  	_ =	shalt  }
0x6c: {  	_ =	shalt  }
0x6d: {  	_ =	shalt  }
0x6e: {  	_ =	shalt  }
0x6f: {  	_ =	shalt  }
0x70: {  	_ =	shalt  }
0x71: {  	_ =	shalt  }
0x72: {  	_ =	shalt  }
0x73: {  	_ =	shalt  }
0x74: {  	_ =	shalt  }
0x75: {  	_ =	shalt  }
0x76: {  	_ =	shalt  }
0x77: {  	_ =	shalt  }
0x78: {  	_ =	shalt  }
0x79: {  	_ =	shalt  }
0x7a: {  	_ =	shalt  }
0x7b: {  	_ =	shalt  }
0x7c: {  	_ =	shalt  }
0x7d: {  	_ =	shalt  }
0x7e: {  	_ =	shalt  }
0x7f: {  	_ =	shalt  }
0x80: {  	_ =	shalt  }
0x81: {  	_ =	shalt  }
0x82: {  	_ =	shalt  }
0x83: {  	_ =	shalt  }
0x84: {  	_ =	shalt  }
0x85: {  	_ =	shalt  }
0x86: {  	_ =	shalt  }
0x87: {  	_ =	shalt  }
.Lfunc_end0:
.L_simem_size_0:
called_computation.1_lowered:
.L_overlay_start_0:
0x88: {  	s2 =	sld [smem:$0x3FD9]  }
0x89: {  	s3 =	sld [smem:$0x3FFE];
	_ =	sdelay $0x1  }
0x8a: {  	s1 =	srdreg.scid  }
0x8b: {  	s0 =	sand.u32 $0x1, s1  }
0x8c: {  	s17 =	sshll.u32 s0, $0xA;
	s2 =	sadd.s32 s3, s2  }
0x8d: {  	s2 =	sadd.s32 s2, s17  }
0x8e: {  	[smem:$0x3FC4] =	sst s2  }
0x8f: {  	_ = 	snop  }
0x90: {  	s2 =	sld [smem:$0x3FC7];
	(tm) =	ssettm $0x1  }
0x91: {  	s18 =	sld [smem:$0x3FFB];
	_ =	sdelay $0x3  }
0x92: {  	_ =	strace s18  }
0x93: {  	s3 =	sld [smem:$0x3FFC];
	_ =	sdelay $0x3  }
0x94: {  	_ =	strace s3  }
0x95: {  	s3 =	sld [smem:$0x3FFD];
	_ =	sdelay $0x3  }
0x96: {  	_ =	strace s3  }
0x97: {  	_ =	strace $0x8FFFFFFF  }
0x98: {  	s19 =	sld [smem:$0x3FDB];
	_ =	sdelay $0x1  }
0x99: {  	s4 =	simm.s32 $_scs_section_size  }
0x9a: {  	s5 =	simm.s32 $_size__tile_overlayer_lowered;
	s6 =	simm.s32 $_tile_overlayer_lowered  }
0x9b: {  	s22 =	simm.s32 $0x1BFF;
	s21 =	sshll.u32 s6, $0x1;
	s3 =	sadd.s32 s4, s19  }
0x9c: {  	s7 =	simm.s32 $0x0;
	s20 =	sshll.u32 s5, $0x1;
	s5 =	sadd.s32 s21, s3  }
0x9d: {  	[timem:s7], [sflag:s22] =	dma.local [hbm:s5], s20  }
0x9e: {  	_ =	swait.ge [sflag:s22], s20  }
0x9f: {  	s4 =	ssub.s32 $0x0, s20;
	[sflag:s22] =	ssyncset.done $0x0  }
0xa0: {  	[sflag:s22] =	ssyncadd.s32 s4;
	_ =	sdelay $0x1  }
0xa1: {  	s23 =	simm.s32 $0x1B8B  }
0xa2: {  	_ =	swait.ge [sflag:s23], $0x1  }
0xa3: {  	[sflag:s23] =	ssyncset.done $0x0  }
0xa4: {  	s25 =	simm.s32 $0x1B8E;
	s24 =	sld [smem:$0x3FFE];
	[sflag:s23] =	ssyncadd.s32 $0xFFFFFFFF  }
0xa5: {  	s26 =	simm.s32 $execute0_lowered;
	[smem:$0x3FD2] =	sst s25  }
0xa6: {  	s5 =	sshll.u32 s26, $0x1;
	_ =	strace $0x80000049;
	[dreg:$0x1] =	wrdreg $0xFFFFFFFF  }
0xa7: {  	s28 =	simm.s32 $_size_execute0_lowered;
	s3 =	sadd.s32 s3, s5;
	[dreg:$0x0] =	wrdreg $0x0  }
0xa8: {  	s5 =	sshll.u32 s28, $0x1;
	[dreg:$0x2] =	wrdreg s3  }
0xa9: {  	[dreg:$0x3] =	wrdreg s5  }
0xaa: {  	[dreg:$0x4] =	wrdreg $0xC0  }
0xab: {  	_ =	task [dreg:s7], $0x5FFFF  }
0xac: {  	[dreg:$0x1] =	wrdreg $0xFFFFFFFF  }
0xad: {  	[dreg:$0x0] =	wrdreg $0x60  }
0xae: {  	[dreg:$0x2] =	wrdreg s24  }
0xaf: {  	[dreg:$0x3] =	wrdreg s2  }
0xb0: {  	[dreg:$0x4] =	wrdreg $0x9  }
0xb1: {  	_ =	task.clear_ibuf [dreg:s7], $0x5FFFF;
	_ =	strace $0x90000049  }
0xb2: {  	s29 =	simm.s32 $0x9;
	_ =	strace $0x8000004B  }
0xb3: {  	_ =	swait.ge [sflag:s29], $0x1  }
0xb4: {  	[sflag:s29] =	ssyncadd.s32 $0xFFFFFFFF  }
0xb5: {  	_ =	strace $0x9000004B  }
0xb6: {  	_ =	sfence  }
0xb7: {  	s30 =	sld [smem:$0x0];
	_ =	sdelay $0x2  }
0xb8: {  	s31 =	sshll.u32 s1, $0xD;
	s1 =	sshrl.u32 s1, $0x2  }
0xb9: {  	s3 =	sand.u32 $0x4000, s31;
	s1 =	sadd.s32 s1, s30  }
0xba: {  	s0 =	sor.u32 s3, s0;
	s1 =	sshll.u32 s1, $0x11  }
0xbb: {  	s0 =	sor.u32 s1, s0  }
0xbc: {  	s0 =	sadd.s32 $0x8F2B, s0  }
0xbd: {  	[sflag:s0] =	ssyncadd.remote.s32 $0x1  }
0xbe: {  	_ =	sfence.sel $0xFFFF  }
0xbf: {  	[dreg:$0x0] =	wrdreg $0xFFFFFFFF;
	(pc) =	sbr.abs _section_cstart, $3  }
0xc0: {  	[dreg:$0x1] =	wrdreg $0xFFFFFFFF  }
0xc1: {  	_ =	task.clear_ibuf [dreg:s7], $0x2FFFF;
	_ =	strace $0x9FFFFFFF  }
0xc2: {  	(tm) =	ssettm $0x7FFFFFFF  }
0xc3: {  	_ =	shalt  }
tec
execute0_lowered:
.L_overlay_start_1:
0x0: {  	(tag) =	ssettag $0x1  }
0x1: {  	s0 =	rddreg [dreg:$0x0]  }
0x2: {  	s2 =	rddreg [dreg:$0x1];
	s1 =	srdreg.scid  }
0x3: {  	s4 =	stileid.u32;
	s3 =	simm.s32 $0x0;
	s29 =	simm.s32 $0x980  }
0x4: {  	s30 =	simm.s32 $0x10980;
	s31 =	simm.s32 $0x0;
	s1 =	sand.u32 $0x1, s1  }
0x5: {  	[smem:$0x7FF] =	sst s3;
	s6 =	sadd.s32 $0x2000, s0;
	s7 =	sadd.s32 $0x4E00, s0  }
0x6: {  	s10 =	sadd.s32 $0x3C80, s0;
	s11 =	sadd.s32 $0x3F00, s0;
	s12 =	sadd.s32 $0x4180, s0  }
0x7: {  	s13 =	sadd.s32 $0x4400, s0;
	s14 =	sadd.s32 $0x4680, s0;
	s15 =	sadd.s32 $0x4900, s0  }
0x8: {  	s16 =	sadd.s32 $0x4B80, s0;
	s17 =	sadd.s32 $0xF4280, s2;
	s18 =	sadd.s32 $0x1E8500, s2  }
0x9: {  	s5 =	sadd.s32 $0xA00, s0;
	s19 =	sadd.s32 $0x2DC780, s2;
	s20 =	sadd.s32 $0x3D0A00, s2  }
0xa: {  	s4 =	sshll.u32 s4, $0x1;
	s21 =	sadd.s32 $0x4C4C80, s2;
	s22 =	sadd.s32 $0x5B8F00, s2  }
0xb: {  	s4 =	sor.u32 s1, s4;
	_ =	strace $0x8000004A;
	[dreg:$0x3] =	wrdreg s5  }
.Ltmp0:
0xc: {  	s1 =	ssub.s32 $0x2, s1;
	s25 =	sshll.u32 s4, $0x2;
	(pc) =	sbr.rel .LBB2_1-.Ltmp0, $4  }
0xd: {  	[dreg:$0x4] =	wrdreg s6;
	s28 =	sshrl.u32 s1, $0x1;
	s5 =	sadd.s32 s25, s0  }
0xe: {  	s6 =	sadd.s32 $0x3A00, s0;
	s0 =	ssub.s32 s1, s28;
	s26 =	sadd.s32 $0x800, s5  }
0xf: {  	v1 =	vlaneseq.u32;
	s23 =	sadd.s32 $0x6AD180, s2;
	s0 =	smax.u32 s0, $0x1;
	[dreg:$0x5] =	wrdreg s26  }
0x10: {  	v0 =	vimm.s32 $0x6000;
	v1 =	vmul.u32 $0x80, v1;
	s8 =	sshll.u32 s4, $0xF;
	[dreg:$0x6] =	wrdreg s0;
	s26 =	simm.s32 $0x3  }
.LBB2_8:
0x11: {  	s31 =	sadd.s32 $0x1, s31;
	s0 =	rddreg [dreg:$0x6]  }
0x12: {  	p0 =	sne.s32 s31, s0  }
.Ltmp1:
0x13: {  	_ = 	snop;
	(pc) =	sbr.rel @!p0 .LBB2_9-.Ltmp1, $1  }
0x14: {  	_ =	sdelay $0x3  }
.LBB2_1:
0x15: {  	s0 =	rddreg [dreg:$0x5];
	s1 =	simm.s32 $0x900  }
0x16: {  	[tilespmem:s1], [sflag:$0x3] =	stream.linear.gather [hbm4b:s0+s3], $0x30, $0x38;
	[tilespmem:$0x13A00] =	vst v63  }
0x17: {  	_ =	swait.ge [sflag:s26], $0x30  }
0x18: {  	[sflag:s26] =	ssyncset.done $0x0  }
0x19: {  	[sflag:s26] =	ssyncadd.s32 $0xFFFFFFD0  }
0x1a: {  	v2 =	vld [tilespmem:$0x900];
	_ =	sdelay $0x4  }
0x1b: {  	(v2sf) =	vpush v2, $0x0;
	_ =	sdelay $0xe  }
0x1c: {  	s28 =	spop (v2sf)  }
0x1d: {  	s5 =	sand.u32 $0x7, s28  }
0x1e: {  	s4 =	sshra.s32 s28, $0x1F;
	p0 =	slt.s32 s28, $0x1;
	p1 =	sne.s32 s5, $0x0  }
0x1f: {  	s9 =	sshrl.u32 s4, $0x1D;
	p0 =	por !p0, !p1  }
0x20: {  	s1 =	simm.s32 $0x1;
	s0 =	sadd.s32 s9, s28;
	p0 =	por !p0, !p0  }
0x21: {  	s0 =	sshra.s32 s0, $0x3;
	s1 =	simm.s32 @!p0 $0x0  }
0x22: {  	s0 =	ssub.s32 s0, s1  }
0x23: {  	s24 =	rddreg [dreg:$0x3];
	s1 =	sand.u32 $0x1FFFFFFF, s0  }
0x24: {  	s4 =	sadd.s32 s24, s1  }
0x25: {  	[tilespmem:s3], [sflag:$0x3] =	stream.linear.gather [hbm4b:s4+s3], $0x410, $0x38;
	[tilespmem:$0x13A00] =	vst v63  }
0x26: {  	_ =	swait.ge [sflag:s26], $0x410  }
0x27: {  	s28 =	simm.s32 $0x480;
	[sflag:s26] =	ssyncset.done $0x0;
	s25 =	rddreg [dreg:$0x4]  }
.Ltmp2:
0x28: {  	[sflag:s26] =	ssyncadd.s32 $0xFFFFFBF0;
	s1 =	sadd.s32 s25, s1;
	(pc) =	sbr.rel .LBB2_2-.Ltmp2, $4  }
0x29: {  	[tilespmem:s28], [sflag:$0x3] =	stream.linear.gather [hbm4b:s1+s3], $0x410, $0x38;
	[tilespmem:$0x13A00] =	vst v63  }
0x2a: {  	_ =	swait.ge [sflag:s26], $0x410  }
0x2b: {  	[sflag:s26] =	ssyncset.done $0x0  }
0x2c: {  	s0 =	sshll.u32 s0, $0x3;
	s1 =	simm.s32 $0x0;
	[sflag:s26] =	ssyncadd.s32 $0xFFFFFBF0  }
.LBB2_10:
0x2d: {  	p0 =	slt.s32 s25, $0x50;
	s4 =	smov.u32 s25  }
0x2e: {  	s4 =	simm.s32 @!p0 $0x50  }
0x2f: {  	[tilespmem:s4+$0x13980] =	vst v0  }
.LBB2_7:
0x30: {  	p0 =	slt.s32 s25, $0x1  }
0x31: {  	s1 =	sadd.s32 $0x1, s1;
	s4 =	simm.s32 @!p0 $0x60  }
0x32: {  	s5 =	simm.s32 @!p0 $0x13980;
	s9 =	simm.s32 @!p0 $0x10980;
	p1 =	sne.s32 s1, $0x20  }
0x33: {  	[hbm4b:s7+s4] =	stream.indirect.scatter @!p0 [tilespmem:s9], [sflag:$0x2], $0x80, s5, s4, $0xb8;
	[tilespmem:$0x13A00] =	vst v63  }
.Ltmp3:
0x34: {  	_ = 	snop;
	(pc) =	sbr.rel @!p1 .LBB2_8-.Ltmp3, $4  }
0x35: {  	s4 =	simm.s32 @!p0 $0x2  }
0x36: {  	_ =	swait.ge @!p0 [sflag:s4], $0x3000  }
0x37: {  	[sflag:s4] =	ssyncset.done @!p0 $0x0  }
0x38: {  	[sflag:s4] =	ssyncadd.s32 @!p0 $0xFFFFD000  }
.LBB2_2:
0x39: {  	s4 =	sshll.u32 s1, $0xA  }
0x3a: {  	s4 =	sadd.s32 s8, s4  }
0x3b: {  	p0 =	sgt.u32 s4, $0xF3E40  }
0x3c: {  	p1 =	sne.s32 @p0 s4, $0xF4000  }
0x3d: {  	p1 =	por p1, !p0  }
0x3e: {  	s5 =	simm.s32 @!p1 $0x0;
	s9 =	simm.s32 @!p1 $0x980  }
0x3f: {  	[tilespmem:s9], [sflag:$0x1] =	stream.linear.gather @!p1 [hbm4b:s6+s5], $0x1400, $0x38;
	[tilespmem:$0x13A00] =	vst v63  }
0x40: {  	s9 =	simm.s32 @!p1 $0x2980  }
0x41: {  	[tilespmem:s9], [sflag:$0x1] =	stream.linear.gather @!p1 [hbm4b:s10+s5], $0x1400, $0x38;
	[tilespmem:$0x13A00] =	vst v63  }
0x42: {  	s9 =	simm.s32 @!p1 $0x4980  }
0x43: {  	[tilespmem:s9], [sflag:$0x1] =	stream.linear.gather @!p1 [hbm4b:s11+s5], $0x1400, $0x38;
	[tilespmem:$0x13A00] =	vst v63  }
0x44: {  	s9 =	simm.s32 @!p1 $0x6980  }
0x45: {  	[tilespmem:s9], [sflag:$0x1] =	stream.linear.gather @!p1 [hbm4b:s12+s5], $0x1400, $0x38;
	[tilespmem:$0x13A00] =	vst v63  }
0x46: {  	s9 =	simm.s32 @!p1 $0x8980  }
0x47: {  	[tilespmem:s9], [sflag:$0x1] =	stream.linear.gather @!p1 [hbm4b:s13+s5], $0x1400, $0x38;
	[tilespmem:$0x13A00] =	vst v63  }
0x48: {  	s9 =	simm.s32 @!p1 $0xA980  }
0x49: {  	[tilespmem:s9], [sflag:$0x1] =	stream.linear.gather @!p1 [hbm4b:s14+s5], $0x1400, $0x38;
	[tilespmem:$0x13A00] =	vst v63  }
0x4a: {  	s9 =	simm.s32 @!p1 $0xC980  }
0x4b: {  	[tilespmem:s9], [sflag:$0x1] =	stream.linear.gather @!p1 [hbm4b:s15+s5], $0x1400, $0x38;
	[tilespmem:$0x13A00] =	vst v63  }
0x4c: {  	s9 =	simm.s32 @!p1 $0xE980  }
0x4d: {  	[tilespmem:s9], [sflag:$0x1] =	stream.linear.gather @!p1 [hbm4b:s16+s5], $0x1400, $0x38;
	[tilespmem:$0x13A00] =	vst v63  }
0x4e: {  	s5 =	simm.s32 @!p1 $0x1  }
0x4f: {  	_ =	swait.ge @!p1 [sflag:s5], $0x1400  }
0x50: {  	[sflag:s5] =	ssyncset.done @!p1 $0x0  }
0x51: {  	[sflag:s5] =	ssyncadd.s32 @!p1 $0xFFFFEC00  }
0x52: {  	_ =	swait.ge @!p1 [sflag:s5], $0x1400  }
0x53: {  	[sflag:s5] =	ssyncset.done @!p1 $0x0  }
0x54: {  	[sflag:s5] =	ssyncadd.s32 @!p1 $0xFFFFEC00  }
0x55: {  	_ =	swait.ge @!p1 [sflag:s5], $0x1400  }
0x56: {  	[sflag:s5] =	ssyncset.done @!p1 $0x0  }
0x57: {  	[sflag:s5] =	ssyncadd.s32 @!p1 $0xFFFFEC00  }
0x58: {  	_ =	swait.ge @!p1 [sflag:s5], $0x1400  }
0x59: {  	[sflag:s5] =	ssyncset.done @!p1 $0x0  }
0x5a: {  	[sflag:s5] =	ssyncadd.s32 @!p1 $0xFFFFEC00  }
0x5b: {  	_ =	swait.ge @!p1 [sflag:s5], $0x1400  }
0x5c: {  	[sflag:s5] =	ssyncset.done @!p1 $0x0  }
0x5d: {  	[sflag:s5] =	ssyncadd.s32 @!p1 $0xFFFFEC00  }
0x5e: {  	_ =	swait.ge @!p1 [sflag:s5], $0x1400  }
0x5f: {  	[sflag:s5] =	ssyncset.done @!p1 $0x0  }
0x60: {  	[sflag:s5] =	ssyncadd.s32 @!p1 $0xFFFFEC00  }
0x61: {  	_ =	swait.ge @!p1 [sflag:s5], $0x1400  }
0x62: {  	[sflag:s5] =	ssyncset.done @!p1 $0x0  }
0x63: {  	[sflag:s5] =	ssyncadd.s32 @!p1 $0xFFFFEC00  }
0x64: {  	_ =	swait.ge @!p1 [sflag:s5], $0x1400  }
0x65: {  	s24 =	simm.s32 @!p0 $0x980;
	[sflag:s5] =	ssyncset.done @!p1 $0x0  }
0x66: {  	s9 =	simm.s32 @!p0 $0x0;
	[sflag:s5] =	ssyncadd.s32 @!p1 $0xFFFFEC00;
	s5 =	sadd.s32 @!p0 s2, s4  }
0x67: {  	[tilespmem:s24], [sflag:$0x1] =	stream.linear.gather @!p0 [hbm4b:s5+s9], $0x2000, $0x38;
	[tilespmem:$0x13A00] =	vst v63  }
0x68: {  	s5 =	sadd.s32 @!p0 s4, s17;
	s24 =	simm.s32 @!p0 $0x2980  }
0x69: {  	[tilespmem:s24], [sflag:$0x1] =	stream.linear.gather @!p0 [hbm4b:s5+s9], $0x2000, $0x38;
	[tilespmem:$0x13A00] =	vst v63  }
0x6a: {  	s5 =	sadd.s32 @!p0 s4, s18;
	s24 =	simm.s32 @!p0 $0x4980  }
0x6b: {  	[tilespmem:s24], [sflag:$0x1] =	stream.linear.gather @!p0 [hbm4b:s5+s9], $0x2000, $0x38;
	[tilespmem:$0x13A00] =	vst v63  }
0x6c: {  	s5 =	sadd.s32 @!p0 s4, s19;
	s24 =	simm.s32 @!p0 $0x6980  }
0x6d: {  	[tilespmem:s24], [sflag:$0x1] =	stream.linear.gather @!p0 [hbm4b:s5+s9], $0x2000, $0x38;
	[tilespmem:$0x13A00] =	vst v63  }
0x6e: {  	s5 =	sadd.s32 @!p0 s4, s20;
	s24 =	simm.s32 @!p0 $0x8980  }
0x6f: {  	[tilespmem:s24], [sflag:$0x1] =	stream.linear.gather @!p0 [hbm4b:s5+s9], $0x2000, $0x38;
	[tilespmem:$0x13A00] =	vst v63  }
0x70: {  	s5 =	sadd.s32 @!p0 s4, s21;
	s24 =	simm.s32 @!p0 $0xA980  }
0x71: {  	[tilespmem:s24], [sflag:$0x1] =	stream.linear.gather @!p0 [hbm4b:s5+s9], $0x2000, $0x38;
	[tilespmem:$0x13A00] =	vst v63  }
0x72: {  	s5 =	sadd.s32 @!p0 s4, s22;
	s24 =	simm.s32 @!p0 $0xC980  }
0x73: {  	[tilespmem:s24], [sflag:$0x1] =	stream.linear.gather @!p0 [hbm4b:s5+s9], $0x2000, $0x38;
	[tilespmem:$0x13A00] =	vst v63  }
0x74: {  	s4 =	sadd.s32 @!p0 s4, s23;
	s5 =	simm.s32 @!p0 $0xE980  }
0x75: {  	[tilespmem:s5], [sflag:$0x1] =	stream.linear.gather @!p0 [hbm4b:s4+s9], $0x2000, $0x38;
	[tilespmem:$0x13A00] =	vst v63  }
0x76: {  	s4 =	simm.s32 @!p0 $0x1  }
0x77: {  	_ =	swait.ge @!p0 [sflag:s4], $0x2000  }
0x78: {  	[sflag:s4] =	ssyncset.done @!p0 $0x0  }
0x79: {  	[sflag:s4] =	ssyncadd.s32 @!p0 $0xFFFFE000  }
0x7a: {  	_ =	swait.ge @!p0 [sflag:s4], $0x2000  }
0x7b: {  	[sflag:s4] =	ssyncset.done @!p0 $0x0  }
0x7c: {  	[sflag:s4] =	ssyncadd.s32 @!p0 $0xFFFFE000  }
0x7d: {  	_ =	swait.ge @!p0 [sflag:s4], $0x2000  }
0x7e: {  	[sflag:s4] =	ssyncset.done @!p0 $0x0  }
0x7f: {  	[sflag:s4] =	ssyncadd.s32 @!p0 $0xFFFFE000  }
0x80: {  	_ =	swait.ge @!p0 [sflag:s4], $0x2000  }
0x81: {  	[sflag:s4] =	ssyncset.done @!p0 $0x0  }
0x82: {  	[sflag:s4] =	ssyncadd.s32 @!p0 $0xFFFFE000  }
0x83: {  	_ =	swait.ge @!p0 [sflag:s4], $0x2000  }
0x84: {  	[sflag:s4] =	ssyncset.done @!p0 $0x0  }
0x85: {  	[sflag:s4] =	ssyncadd.s32 @!p0 $0xFFFFE000  }
0x86: {  	_ =	swait.ge @!p0 [sflag:s4], $0x2000  }
0x87: {  	[sflag:s4] =	ssyncset.done @!p0 $0x0  }
0x88: {  	[sflag:s4] =	ssyncadd.s32 @!p0 $0xFFFFE000  }
0x89: {  	_ =	swait.ge @!p0 [sflag:s4], $0x2000  }
0x8a: {  	[sflag:s4] =	ssyncset.done @!p0 $0x0  }
0x8b: {  	[sflag:s4] =	ssyncadd.s32 @!p0 $0xFFFFE000  }
0x8c: {  	_ =	swait.ge @!p0 [sflag:s4], $0x2000  }
0x8d: {  	[sflag:s4] =	ssyncset.done @!p0 $0x0  }
0x8e: {  	[sflag:s4] =	ssyncadd.s32 @!p0 $0xFFFFE000  }
0x8f: {  	v2 =	vld [tilespmem:s1+$0x900];
	_ =	sdelay $0x4  }
0x90: {  	(v2sf) =	vpush v2, $0x0  }
0x91: {  	(v2sf) =	vpush v2, $0x1;
	_ =	sdelay $0xd  }
0x92: {  	s4 =	spop (v2sf)  }
0x93: {  	s9 =	spop (v2sf)  }
0x94: {  	s25 =	ssub.s32 s9, s4  }
0x95: {  	s5 =	sadd.s32 $0xF, s25  }
0x96: {  	s24 =	sand.u32 $0xF, s5  }
0x97: {  	p6 =	slt.s32 s5, $0x1;
	p5 =	sne.s32 s24, $0x0;
	s24 =	sshra.s32 s5, $0x1F  }
0x98: {  	s9 =	sshrl.u32 s24, $0x1C;
	p0 =	por !p6, !p5  }
0x99: {  	s5 =	sadd.s32 s9, s5;
	p0 =	por !p0, !p0;
	s9 =	simm.s32 $0x1  }
0x9a: {  	s5 =	sshra.s32 s5, $0x4;
	s9 =	simm.s32 @!p0 $0x0  }
0x9b: {  	s28 =	ssub.s32 s5, s9  }
0x9c: {  	[tilespmem:$0x13980] =	vst v0;
	p0 =	slt.s32 s28, $0x1  }
.Ltmp4:
0x9d: {  	[tilespmem:$0x13990] =	vst v0;
	(pc) =	sbr.rel @p0 .LBB2_10-.Ltmp4, $4  }
0x9e: {  	[tilespmem:$0x139A0] =	vst v0  }
0x9f: {  	[tilespmem:$0x139B0] =	vst v0  }
0xa0: {  	[tilespmem:$0x139C0] =	vst v0  }
0xa1: {  	[tilespmem:$0x139D0] =	vst v0  }
0xa2: {  	s4 =	ssub.s32 s4, s0  }
0xa3: {  	s24 =	sadd.s32 $0x480, s4  }
0xa4: {  	p0 =	seq.s32 s28, $0x1;
	v2 =	vld [tilespmem:s24+$0x0]  }
.Ltmp5:
0xa5: {  	_ = 	snop;
	(pc) =	sbr.rel @p0 .LBB2_5-.Ltmp5, $3  }
0xa6: {  	_ =	sdelay $0x1  }
0xa7: {  	s5 =	simm.s32 $0x13980  }
0xa8: {  	s9 =	sadd.s32 $0xFFFFFFFF, s28;
	s24 =	sadd.s32 $0x10, s24;
	[tilespmem:s5+$0x0] =	vst v2  }
.LBB2_4:
0xa9: {  	v2 =	vld [tilespmem:s24+$0x0];
	p0 =	seq.s32 s9, $0x1;
	s9 =	sadd.s32 $0xFFFFFFFF, s9  }
.Ltmp6:
0xaa: {  	(pc) =	sbr.rel @!p0 .LBB2_4-.Ltmp6, $3  }
0xab: {  	_ =	sdelay $0x1  }
0xac: {  	s5 =	sadd.s32 $0x10, s5  }
0xad: {  	s24 =	sadd.s32 $0x10, s24;
	[tilespmem:s5+$0x0] =	vst v2  }
.LBB2_5:
0xae: {  	p0 =	slt.s32 s25, $0x50;
	s5 =	smov.u32 s25  }
0xaf: {  	s5 =	simm.s32 @!p0 $0x50  }
0xb0: {  	[tilespmem:s5+$0x13980] =	vst v0;
	s5 =	simm.s32 $0x0  }
.LBB2_6:
0xb1: {  	v2 =	vld [tilespmem:s4+$0x0];
	_ =	sdelay $0x4  }
0xb2: {  	v3 =	vshll.u32 v2, $0x3  }
0xb3: {  	v2 =	vand.u32 $0x7F, v2;
	v3 =	vand.u32 $0x1C00, v3  }
0xb4: {  	v2 =	vor.u32 v2, v3;
	_ =	sdelay $0x2  }
0xb5: {  	v3 =	vmov s5  }
0xb6: {  	v3 =	vshll.u32 v3, $0x7  }
0xb7: {  	v3 =	vor.u32 v1, v3;
	v4 =	vld.idx.msk [tilespmem:v2+s29+$0x0], $0xffff  }
0xb8: {  	v5 =	vor.u32 $0x80, v2;
	_ =	sdelay $0x3  }
0xb9: {  	[tilespmem:v3+s30+$0x0] =	vst.idx.msk $0xffff, v4  }
0xba: {  	v52 =	vor.u32 $0x1, v3;
	v4 =	vld.idx.msk [tilespmem:v5+s29+$0x0], $0xffff  }
0xbb: {  	v6 =	vor.u32 $0x100, v2;
	_ =	sdelay $0x3  }
0xbc: {  	[tilespmem:v52+s30+$0x0] =	vst.idx.msk $0xffff, v4  }
0xbd: {  	v53 =	vor.u32 $0x2, v3;
	v4 =	vld.idx.msk [tilespmem:v6+s29+$0x0], $0xffff  }
0xbe: {  	v54 =	vor.u32 $0x180, v2;
	_ =	sdelay $0x3  }
0xbf: {  	[tilespmem:v53+s30+$0x0] =	vst.idx.msk $0xffff, v4  }
0xc0: {  	v55 =	vor.u32 $0x3, v3;
	v4 =	vld.idx.msk [tilespmem:v54+s29+$0x0], $0xffff  }
0xc1: {  	v56 =	vor.u32 $0x200, v2;
	_ =	sdelay $0x3  }
0xc2: {  	[tilespmem:v55+s30+$0x0] =	vst.idx.msk $0xffff, v4  }
0xc3: {  	v57 =	vor.u32 $0x4, v3;
	v4 =	vld.idx.msk [tilespmem:v56+s29+$0x0], $0xffff  }
0xc4: {  	v58 =	vor.u32 $0x280, v2;
	_ =	sdelay $0x3  }
0xc5: {  	[tilespmem:v57+s30+$0x0] =	vst.idx.msk $0xffff, v4  }
0xc6: {  	v59 =	vor.u32 $0x5, v3;
	v4 =	vld.idx.msk [tilespmem:v58+s29+$0x0], $0xffff  }
0xc7: {  	v60 =	vor.u32 $0x300, v2;
	_ =	sdelay $0x3  }
0xc8: {  	[tilespmem:v59+s30+$0x0] =	vst.idx.msk $0xffff, v4  }
0xc9: {  	v61 =	vor.u32 $0x6, v3;
	v4 =	vld.idx.msk [tilespmem:v60+s29+$0x0], $0xffff  }
0xca: {  	v62 =	vor.u32 $0x380, v2;
	_ =	sdelay $0x3  }
0xcb: {  	[tilespmem:v61+s30+$0x0] =	vst.idx.msk $0xffff, v4  }
0xcc: {  	v63 =	vor.u32 $0x7, v3;
	v4 =	vld.idx.msk [tilespmem:v62+s29+$0x0], $0xffff  }
0xcd: {  	v9 =	vor.u32 $0x2000, v2;
	_ =	sdelay $0x3  }
0xce: {  	[tilespmem:v63+s30+$0x0] =	vst.idx.msk $0xffff, v4  }
0xcf: {  	v10 =	vor.u32 $0x8, v3;
	v4 =	vld.idx.msk [tilespmem:v9+s29+$0x0], $0xffff  }
0xd0: {  	v11 =	vor.u32 $0x2080, v2;
	_ =	sdelay $0x3  }
0xd1: {  	[tilespmem:v10+s30+$0x0] =	vst.idx.msk $0xffff, v4  }
0xd2: {  	v12 =	vor.u32 $0x9, v3;
	v4 =	vld.idx.msk [tilespmem:v11+s29+$0x0], $0xffff  }
0xd3: {  	v13 =	vor.u32 $0x2100, v2;
	_ =	sdelay $0x3  }
0xd4: {  	[tilespmem:v12+s30+$0x0] =	vst.idx.msk $0xffff, v4  }
0xd5: {  	v14 =	vor.u32 $0xA, v3;
	v4 =	vld.idx.msk [tilespmem:v13+s29+$0x0], $0xffff  }
0xd6: {  	v15 =	vor.u32 $0x2180, v2;
	_ =	sdelay $0x3  }
0xd7: {  	[tilespmem:v14+s30+$0x0] =	vst.idx.msk $0xffff, v4  }
0xd8: {  	v16 =	vor.u32 $0xB, v3;
	v4 =	vld.idx.msk [tilespmem:v15+s29+$0x0], $0xffff  }
0xd9: {  	v17 =	vor.u32 $0x2200, v2;
	_ =	sdelay $0x3  }
0xda: {  	[tilespmem:v16+s30+$0x0] =	vst.idx.msk $0xffff, v4  }
0xdb: {  	v18 =	vor.u32 $0xC, v3;
	v4 =	vld.idx.msk [tilespmem:v17+s29+$0x0], $0xffff  }
0xdc: {  	v19 =	vor.u32 $0x2280, v2;
	_ =	sdelay $0x3  }
0xdd: {  	[tilespmem:v18+s30+$0x0] =	vst.idx.msk $0xffff, v4  }
0xde: {  	v20 =	vor.u32 $0xD, v3;
	v4 =	vld.idx.msk [tilespmem:v19+s29+$0x0], $0xffff  }
0xdf: {  	v21 =	vor.u32 $0x2300, v2;
	_ =	sdelay $0x3  }
0xe0: {  	[tilespmem:v20+s30+$0x0] =	vst.idx.msk $0xffff, v4  }
0xe1: {  	v22 =	vor.u32 $0xE, v3;
	v4 =	vld.idx.msk [tilespmem:v21+s29+$0x0], $0xffff  }
0xe2: {  	v23 =	vor.u32 $0x2380, v2;
	_ =	sdelay $0x3  }
0xe3: {  	[tilespmem:v22+s30+$0x0] =	vst.idx.msk $0xffff, v4  }
0xe4: {  	v24 =	vor.u32 $0xF, v3;
	v4 =	vld.idx.msk [tilespmem:v23+s29+$0x0], $0xffff  }
0xe5: {  	v25 =	vor.u32 $0x4000, v2;
	_ =	sdelay $0x3  }
0xe6: {  	[tilespmem:v24+s30+$0x0] =	vst.idx.msk $0xffff, v4  }
0xe7: {  	v26 =	vor.u32 $0x10, v3;
	v4 =	vld.idx.msk [tilespmem:v25+s29+$0x0], $0xffff  }
0xe8: {  	v27 =	vor.u32 $0x4080, v2;
	_ =	sdelay $0x3  }
0xe9: {  	[tilespmem:v26+s30+$0x0] =	vst.idx.msk $0xffff, v4  }
0xea: {  	v28 =	vor.u32 $0x11, v3;
	v4 =	vld.idx.msk [tilespmem:v27+s29+$0x0], $0xffff  }
0xeb: {  	v29 =	vor.u32 $0x4100, v2;
	_ =	sdelay $0x3  }
0xec: {  	[tilespmem:v28+s30+$0x0] =	vst.idx.msk $0xffff, v4  }
0xed: {  	v30 =	vor.u32 $0x12, v3;
	v4 =	vld.idx.msk [tilespmem:v29+s29+$0x0], $0xffff  }
0xee: {  	v31 =	vor.u32 $0x4180, v2;
	_ =	sdelay $0x3  }
0xef: {  	[tilespmem:v30+s30+$0x0] =	vst.idx.msk $0xffff, v4  }
0xf0: {  	v32 =	vor.u32 $0x13, v3;
	v4 =	vld.idx.msk [tilespmem:v31+s29+$0x0], $0xffff  }
0xf1: {  	v33 =	vor.u32 $0x4200, v2;
	_ =	sdelay $0x3  }
0xf2: {  	[tilespmem:v32+s30+$0x0] =	vst.idx.msk $0xffff, v4  }
0xf3: {  	v34 =	vor.u32 $0x14, v3;
	v4 =	vld.idx.msk [tilespmem:v33+s29+$0x0], $0xffff  }
0xf4: {  	v35 =	vor.u32 $0x4280, v2;
	_ =	sdelay $0x3  }
0xf5: {  	[tilespmem:v34+s30+$0x0] =	vst.idx.msk $0xffff, v4  }
0xf6: {  	v36 =	vor.u32 $0x15, v3;
	v4 =	vld.idx.msk [tilespmem:v35+s29+$0x0], $0xffff  }
0xf7: {  	v37 =	vor.u32 $0x4300, v2;
	_ =	sdelay $0x3  }
0xf8: {  	[tilespmem:v36+s30+$0x0] =	vst.idx.msk $0xffff, v4  }
0xf9: {  	v38 =	vor.u32 $0x16, v3;
	v4 =	vld.idx.msk [tilespmem:v37+s29+$0x0], $0xffff  }
0xfa: {  	v39 =	vor.u32 $0x4380, v2;
	_ =	sdelay $0x3  }
0xfb: {  	[tilespmem:v38+s30+$0x0] =	vst.idx.msk $0xffff, v4  }
0xfc: {  	v40 =	vor.u32 $0x17, v3;
	v4 =	vld.idx.msk [tilespmem:v39+s29+$0x0], $0xffff  }
0xfd: {  	v41 =	vor.u32 $0x6000, v2;
	_ =	sdelay $0x3  }
0xfe: {  	[tilespmem:v40+s30+$0x0] =	vst.idx.msk $0xffff, v4  }
0xff: {  	v42 =	vor.u32 $0x18, v3;
	v4 =	vld.idx.msk [tilespmem:v41+s29+$0x0], $0xffff  }
0x100: {  	v43 =	vor.u32 $0x6080, v2;
	_ =	sdelay $0x3  }
0x101: {  	[tilespmem:v42+s30+$0x0] =	vst.idx.msk $0xffff, v4  }
0x102: {  	v44 =	vor.u32 $0x19, v3;
	v4 =	vld.idx.msk [tilespmem:v43+s29+$0x0], $0xffff  }
0x103: {  	v45 =	vor.u32 $0x6100, v2;
	_ =	sdelay $0x3  }
0x104: {  	[tilespmem:v44+s30+$0x0] =	vst.idx.msk $0xffff, v4  }
0x105: {  	v46 =	vor.u32 $0x1A, v3;
	v4 =	vld.idx.msk [tilespmem:v45+s29+$0x0], $0xffff  }
0x106: {  	v47 =	vor.u32 $0x6180, v2;
	_ =	sdelay $0x3  }
0x107: {  	[tilespmem:v46+s30+$0x0] =	vst.idx.msk $0xffff, v4  }
0x108: {  	v48 =	vor.u32 $0x1B, v3;
	v4 =	vld.idx.msk [tilespmem:v47+s29+$0x0], $0xffff  }
0x109: {  	v49 =	vor.u32 $0x6200, v2;
	_ =	sdelay $0x3  }
0x10a: {  	[tilespmem:v48+s30+$0x0] =	vst.idx.msk $0xffff, v4  }
0x10b: {  	v50 =	vor.u32 $0x1C, v3;
	v4 =	vld.idx.msk [tilespmem:v49+s29+$0x0], $0xffff  }
0x10c: {  	v51 =	vor.u32 $0x6280, v2;
	_ =	sdelay $0x3  }
0x10d: {  	[tilespmem:v50+s30+$0x0] =	vst.idx.msk $0xffff, v4  }
0x10e: {  	v52 =	vor.u32 $0x1D, v3;
	v4 =	vld.idx.msk [tilespmem:v51+s29+$0x0], $0xffff  }
0x10f: {  	v53 =	vor.u32 $0x6300, v2;
	_ =	sdelay $0x3  }
0x110: {  	[tilespmem:v52+s30+$0x0] =	vst.idx.msk $0xffff, v4  }
0x111: {  	v54 =	vor.u32 $0x1E, v3;
	v4 =	vld.idx.msk [tilespmem:v53+s29+$0x0], $0xffff  }
0x112: {  	v55 =	vor.u32 $0x6380, v2;
	_ =	sdelay $0x3  }
0x113: {  	[tilespmem:v54+s30+$0x0] =	vst.idx.msk $0xffff, v4  }
0x114: {  	v56 =	vor.u32 $0x1F, v3;
	v4 =	vld.idx.msk [tilespmem:v55+s29+$0x0], $0xffff  }
0x115: {  	v57 =	vor.u32 $0x8000, v2;
	_ =	sdelay $0x3  }
0x116: {  	[tilespmem:v56+s30+$0x0] =	vst.idx.msk $0xffff, v4  }
0x117: {  	v58 =	vor.u32 $0x20, v3;
	v4 =	vld.idx.msk [tilespmem:v57+s29+$0x0], $0xffff  }
0x118: {  	v59 =	vor.u32 $0x8080, v2;
	_ =	sdelay $0x3  }
0x119: {  	[tilespmem:v58+s30+$0x0] =	vst.idx.msk $0xffff, v4  }
0x11a: {  	v60 =	vor.u32 $0x21, v3;
	v4 =	vld.idx.msk [tilespmem:v59+s29+$0x0], $0xffff  }
0x11b: {  	v61 =	vor.u32 $0x8100, v2;
	_ =	sdelay $0x3  }
0x11c: {  	[tilespmem:v60+s30+$0x0] =	vst.idx.msk $0xffff, v4  }
0x11d: {  	v62 =	vor.u32 $0x22, v3;
	v4 =	vld.idx.msk [tilespmem:v61+s29+$0x0], $0xffff  }
0x11e: {  	v63 =	vor.u32 $0x8180, v2;
	_ =	sdelay $0x3  }
0x11f: {  	[tilespmem:v62+s30+$0x0] =	vst.idx.msk $0xffff, v4  }
0x120: {  	v9 =	vor.u32 $0x23, v3;
	v4 =	vld.idx.msk [tilespmem:v63+s29+$0x0], $0xffff  }
0x121: {  	v10 =	vor.u32 $0x8200, v2;
	_ =	sdelay $0x3  }
0x122: {  	[tilespmem:v9+s30+$0x0] =	vst.idx.msk $0xffff, v4  }
0x123: {  	v11 =	vor.u32 $0x24, v3;
	v4 =	vld.idx.msk [tilespmem:v10+s29+$0x0], $0xffff  }
0x124: {  	v12 =	vor.u32 $0x8280, v2;
	_ =	sdelay $0x3  }
0x125: {  	[tilespmem:v11+s30+$0x0] =	vst.idx.msk $0xffff, v4  }
0x126: {  	v13 =	vor.u32 $0x25, v3;
	v4 =	vld.idx.msk [tilespmem:v12+s29+$0x0], $0xffff  }
0x127: {  	v14 =	vor.u32 $0x8300, v2;
	_ =	sdelay $0x3  }
0x128: {  	[tilespmem:v13+s30+$0x0] =	vst.idx.msk $0xffff, v4  }
0x129: {  	v15 =	vor.u32 $0x26, v3;
	v4 =	vld.idx.msk [tilespmem:v14+s29+$0x0], $0xffff  }
0x12a: {  	v16 =	vor.u32 $0x8380, v2;
	_ =	sdelay $0x3  }
0x12b: {  	[tilespmem:v15+s30+$0x0] =	vst.idx.msk $0xffff, v4  }
0x12c: {  	v17 =	vor.u32 $0x27, v3;
	v4 =	vld.idx.msk [tilespmem:v16+s29+$0x0], $0xffff  }
0x12d: {  	v18 =	vor.u32 $0xA000, v2;
	_ =	sdelay $0x3  }
0x12e: {  	[tilespmem:v17+s30+$0x0] =	vst.idx.msk $0xffff, v4  }
0x12f: {  	v19 =	vor.u32 $0x28, v3;
	v4 =	vld.idx.msk [tilespmem:v18+s29+$0x0], $0xffff  }
0x130: {  	v20 =	vor.u32 $0xA080, v2;
	_ =	sdelay $0x3  }
0x131: {  	[tilespmem:v19+s30+$0x0] =	vst.idx.msk $0xffff, v4  }
0x132: {  	v21 =	vor.u32 $0x29, v3;
	v4 =	vld.idx.msk [tilespmem:v20+s29+$0x0], $0xffff  }
0x133: {  	v22 =	vor.u32 $0xA100, v2;
	_ =	sdelay $0x3  }
0x134: {  	[tilespmem:v21+s30+$0x0] =	vst.idx.msk $0xffff, v4  }
0x135: {  	v23 =	vor.u32 $0x2A, v3;
	v4 =	vld.idx.msk [tilespmem:v22+s29+$0x0], $0xffff  }
0x136: {  	v24 =	vor.u32 $0xA180, v2;
	_ =	sdelay $0x3  }
0x137: {  	[tilespmem:v23+s30+$0x0] =	vst.idx.msk $0xffff, v4  }
0x138: {  	v25 =	vor.u32 $0x2B, v3;
	v4 =	vld.idx.msk [tilespmem:v24+s29+$0x0], $0xffff  }
0x139: {  	v26 =	vor.u32 $0xA200, v2;
	_ =	sdelay $0x3  }
0x13a: {  	[tilespmem:v25+s30+$0x0] =	vst.idx.msk $0xffff, v4  }
0x13b: {  	v27 =	vor.u32 $0x2C, v3;
	v4 =	vld.idx.msk [tilespmem:v26+s29+$0x0], $0xffff  }
0x13c: {  	v28 =	vor.u32 $0xA280, v2;
	_ =	sdelay $0x3  }
0x13d: {  	[tilespmem:v27+s30+$0x0] =	vst.idx.msk $0xffff, v4  }
0x13e: {  	v29 =	vor.u32 $0x2D, v3;
	v4 =	vld.idx.msk [tilespmem:v28+s29+$0x0], $0xffff  }
0x13f: {  	v30 =	vor.u32 $0xA300, v2;
	_ =	sdelay $0x3  }
0x140: {  	[tilespmem:v29+s30+$0x0] =	vst.idx.msk $0xffff, v4  }
0x141: {  	v31 =	vor.u32 $0x2E, v3;
	v4 =	vld.idx.msk [tilespmem:v30+s29+$0x0], $0xffff  }
0x142: {  	v32 =	vor.u32 $0xA380, v2;
	_ =	sdelay $0x3  }
0x143: {  	[tilespmem:v31+s30+$0x0] =	vst.idx.msk $0xffff, v4  }
0x144: {  	v33 =	vor.u32 $0x2F, v3;
	v4 =	vld.idx.msk [tilespmem:v32+s29+$0x0], $0xffff  }
0x145: {  	v34 =	vor.u32 $0xC000, v2;
	_ =	sdelay $0x3  }
0x146: {  	[tilespmem:v33+s30+$0x0] =	vst.idx.msk $0xffff, v4  }
0x147: {  	v35 =	vor.u32 $0x30, v3;
	v4 =	vld.idx.msk [tilespmem:v34+s29+$0x0], $0xffff  }
0x148: {  	v36 =	vor.u32 $0xC080, v2;
	_ =	sdelay $0x3  }
0x149: {  	[tilespmem:v35+s30+$0x0] =	vst.idx.msk $0xffff, v4  }
0x14a: {  	v37 =	vor.u32 $0x31, v3;
	v4 =	vld.idx.msk [tilespmem:v36+s29+$0x0], $0xffff  }
0x14b: {  	v38 =	vor.u32 $0xC100, v2;
	_ =	sdelay $0x3  }
0x14c: {  	[tilespmem:v37+s30+$0x0] =	vst.idx.msk $0xffff, v4  }
0x14d: {  	v39 =	vor.u32 $0x32, v3;
	v4 =	vld.idx.msk [tilespmem:v38+s29+$0x0], $0xffff  }
0x14e: {  	v40 =	vor.u32 $0xC180, v2;
	_ =	sdelay $0x3  }
0x14f: {  	[tilespmem:v39+s30+$0x0] =	vst.idx.msk $0xffff, v4  }
0x150: {  	v41 =	vor.u32 $0x33, v3;
	v4 =	vld.idx.msk [tilespmem:v40+s29+$0x0], $0xffff  }
0x151: {  	v42 =	vor.u32 $0xC200, v2;
	_ =	sdelay $0x3  }
0x152: {  	[tilespmem:v41+s30+$0x0] =	vst.idx.msk $0xffff, v4  }
0x153: {  	v43 =	vor.u32 $0x34, v3;
	v4 =	vld.idx.msk [tilespmem:v42+s29+$0x0], $0xffff  }
0x154: {  	v44 =	vor.u32 $0xC280, v2;
	_ =	sdelay $0x3  }
0x155: {  	[tilespmem:v43+s30+$0x0] =	vst.idx.msk $0xffff, v4  }
0x156: {  	v45 =	vor.u32 $0x35, v3;
	v4 =	vld.idx.msk [tilespmem:v44+s29+$0x0], $0xffff  }
0x157: {  	v46 =	vor.u32 $0xC300, v2;
	_ =	sdelay $0x3  }
0x158: {  	[tilespmem:v45+s30+$0x0] =	vst.idx.msk $0xffff, v4  }
0x159: {  	v47 =	vor.u32 $0x36, v3;
	v4 =	vld.idx.msk [tilespmem:v46+s29+$0x0], $0xffff  }
0x15a: {  	v48 =	vor.u32 $0xC380, v2;
	_ =	sdelay $0x3  }
0x15b: {  	[tilespmem:v47+s30+$0x0] =	vst.idx.msk $0xffff, v4  }
0x15c: {  	v49 =	vor.u32 $0x37, v3;
	v4 =	vld.idx.msk [tilespmem:v48+s29+$0x0], $0xffff  }
0x15d: {  	v50 =	vor.u32 $0xE000, v2;
	_ =	sdelay $0x3  }
0x15e: {  	[tilespmem:v49+s30+$0x0] =	vst.idx.msk $0xffff, v4  }
0x15f: {  	v51 =	vor.u32 $0x38, v3;
	v4 =	vld.idx.msk [tilespmem:v50+s29+$0x0], $0xffff  }
0x160: {  	v52 =	vor.u32 $0xE080, v2;
	_ =	sdelay $0x3  }
0x161: {  	[tilespmem:v51+s30+$0x0] =	vst.idx.msk $0xffff, v4  }
0x162: {  	v53 =	vor.u32 $0x39, v3;
	v4 =	vld.idx.msk [tilespmem:v52+s29+$0x0], $0xffff  }
0x163: {  	v54 =	vor.u32 $0xE100, v2;
	_ =	sdelay $0x3  }
0x164: {  	[tilespmem:v53+s30+$0x0] =	vst.idx.msk $0xffff, v4  }
0x165: {  	v55 =	vor.u32 $0x3A, v3;
	v4 =	vld.idx.msk [tilespmem:v54+s29+$0x0], $0xffff  }
0x166: {  	v56 =	vor.u32 $0xE180, v2;
	_ =	sdelay $0x3  }
0x167: {  	[tilespmem:v55+s30+$0x0] =	vst.idx.msk $0xffff, v4  }
0x168: {  	v57 =	vor.u32 $0x3B, v3;
	v4 =	vld.idx.msk [tilespmem:v56+s29+$0x0], $0xffff  }
0x169: {  	v58 =	vor.u32 $0xE200, v2;
	_ =	sdelay $0x3  }
0x16a: {  	[tilespmem:v57+s30+$0x0] =	vst.idx.msk $0xffff, v4  }
0x16b: {  	v59 =	vor.u32 $0x3C, v3;
	v4 =	vld.idx.msk [tilespmem:v58+s29+$0x0], $0xffff  }
0x16c: {  	v60 =	vor.u32 $0xE280, v2;
	_ =	sdelay $0x3  }
0x16d: {  	[tilespmem:v59+s30+$0x0] =	vst.idx.msk $0xffff, v4  }
0x16e: {  	v61 =	vor.u32 $0x3D, v3;
	v4 =	vld.idx.msk [tilespmem:v60+s29+$0x0], $0xffff  }
0x16f: {  	v62 =	vor.u32 $0xE300, v2;
	_ =	sdelay $0x3  }
0x170: {  	[tilespmem:v61+s30+$0x0] =	vst.idx.msk $0xffff, v4  }
0x171: {  	v63 =	vor.u32 $0x3E, v3;
	v4 =	vld.idx.msk [tilespmem:v62+s29+$0x0], $0xffff  }
0x172: {  	v2 =	vor.u32 $0xE380, v2;
	_ =	sdelay $0x3  }
0x173: {  	[tilespmem:v63+s30+$0x0] =	vst.idx.msk $0xffff, v4  }
0x174: {  	p0 =	sne.s32 s28, $0x1;
	v3 =	vor.u32 $0x3F, v3;
	v2 =	vld.idx.msk [tilespmem:v2+s29+$0x0], $0xffff  }
.Ltmp7:
0x175: {  	_ = 	snop;
	(pc) =	sbr.rel @p0 .LBB2_6-.Ltmp7, $2  }
0x176: {  	_ =	sdelay $0x2  }
0x177: {  	s4 =	sadd.s32 $0x10, s4;
	s28 =	sadd.s32 $0xFFFFFFFF, s28;
	s5 =	sadd.s32 $0x10, s5;
	[tilespmem:v3+s30+$0x0] =	vst.idx.msk $0xffff, v2  }
.Ltmp8:
0x178: {  	_ = 	snop;
	(pc) =	sbr.rel .LBB2_7-.Ltmp8, $1  }
0x179: {  	_ =	sdelay $0x3  }
.LBB2_9:
0x17a: {  	_ =	sfence.sel $0x180000  }
0x17b: {  	[bflag:$0x0] =	sbarrier.arrive $0xFFFF  }
0x17c: {  	_ =	strace $0x9000004A  }
0x17d: {  	s0 =	stileid.u32;
	[bflag:$0x2] =	sbarrier.arrive $0xFFFF  }
0x17e: {  	p0 =	sne.s32 s0, $0x0;
	s0 =	rddreg [dreg:$0x2]  }
0x17f: {  	s0 =	sadd.s32 @!p0 $0x100000, s0  }
0x180: {  	[sflag:s0] =	ssyncadd.tile.s32 @!p0 $0x1;
	_ =	shalt  }
.Lfunc_end2:
_tile_overlayer_lowered:
.L_overlay_start_2:
0x181: {  	(tag) =	ssettag $0x2  }
0x182: {  	s0 =	rddreg [dreg:$0x0];
	s2 =	stileid.u32  }
0x183: {  	s1 =	rddreg [dreg:$0x1];
	p0 =	sne.s32 s2, $0x0  }
0x184: {  	s3 =	rddreg [dreg:$0x2];
	[bflag:$0x3] =	sbarrier.arrive $0xFFFF;
	s2 =	simm.s32 @!p0 $0x1C03  }
0x185: {  	[timem:s3], [sflag:s2] =	dma.local @!p0 [hbm:s0], s1  }
0x186: {  	s0 =	simm.s32 @!p0 $0x3  }
0x187: {  	_ =	swait.ge @!p0 [sflag:s0], s1  }
0x188: {  	s1 =	ssub.s32 @!p0 $0x0, s1;
	[sflag:s0] =	ssyncset.done @!p0 $0x0  }
0x189: {  	[sflag:s0] =	ssyncadd.s32 @!p0 s1  }
0x18a: {  	[bflag:$0x3] =	sbarrier.arrive $0xFFFF  }
0x18b: {  	_ =	shalt  }

</sc_bundles>
